<compile_context>
chip_gen: v7x
topology: tpu7x:2x2x1
jax: 0.10.2.dev20260603
libtpu: 0.0.44.dev20260713+nightly
codegen_flags: <defaults>
</compile_context>

<pallas_src>
import functools

import jax
import jax.numpy as jnp
from jax import lax
from jax.experimental import pallas as pl
from jax.experimental.pallas import tpu as pltpu
from jax.experimental.pallas import tpu_sc as plsc

B = 16384
H = 20
N = 5
D = 64

NC = 2
NS = 16
NW = NC * NS

CH = 512


def _sc_gather_body(emb_hbm, delta_hbm, xs_hbm, ys_hbm, hs_hbm, ns_hbm,
                    x_out, y_out, h_out, n_out, d_out,
                    idx_v, rows_v, dv, sem_g, sem_s):
    wid = lax.axis_index("s") * NC + lax.axis_index("c")

    def run_job(idx_hbm, out_hbm, rows_per_worker):
        nch = rows_per_worker // CH
        base = wid * rows_per_worker
        pltpu.sync_copy(idx_hbm.at[pl.ds(base, rows_per_worker)],
                        idx_v.at[pl.ds(0, rows_per_worker)])

        def gather(i, p):
            return pltpu.make_async_copy(
                emb_hbm.at[idx_v.at[pl.ds(i * CH, CH)]],
                rows_v.at[pl.ds(p * CH, CH)], sem_g)

        def store(i, p):
            return pltpu.make_async_copy(
                rows_v.at[pl.ds(p * CH, CH)],
                out_hbm.at[pl.ds(base + i * CH, CH)], sem_s)

        gather(0, 0).start()

        def body(i, _):
            p = lax.rem(i, 2)
            q = 1 - p

            @pl.when(i >= 1)
            def _():
                store(i - 1, q).wait()

            @pl.when(i + 1 < nch)
            def _():
                gather(i + 1, q).start()

            gather(i, p).wait()
            store(i, p).start()
            return 0

        lax.fori_loop(0, nch, body, 0)
        store(nch - 1, (nch - 1) % 2).wait()

    run_job(xs_hbm, x_out, B // NW)
    run_job(ys_hbm, y_out, B // NW)
    run_job(hs_hbm, h_out, B * H // NW)
    run_job(ns_hbm, n_out, B * N // NW)

    base = wid * (B // NW)
    pltpu.sync_copy(xs_hbm.at[pl.ds(base, B // NW)],
                    idx_v.at[pl.ds(0, B // NW)])
    pltpu.async_copy(delta_hbm.at[idx_v.at[pl.ds(0, B // NW)]], dv,
                     sem_g).wait()
    pltpu.sync_copy(dv, d_out.at[pl.ds(base, B // NW)])


def _sc_gather(emb, delta_flat, xs, ys, hs_flat, ns_flat):
    mesh = plsc.VectorSubcoreMesh(core_axis_name="c", subcore_axis_name="s")
    f = pl.kernel(
        _sc_gather_body,
        out_type=[
            jax.ShapeDtypeStruct((B, D), jnp.float32),
            jax.ShapeDtypeStruct((B, D), jnp.float32),
            jax.ShapeDtypeStruct((B * H, D), jnp.float32),
            jax.ShapeDtypeStruct((B * N, D), jnp.float32),
            jax.ShapeDtypeStruct((B,), jnp.float32),
        ],
        mesh=mesh,
        compiler_params=pltpu.CompilerParams(use_tc_tiling_on_sc=False),
        scratch_types=[
            pltpu.VMEM((B * H // NW,), jnp.int32),
            pltpu.VMEM((2 * CH, D), jnp.float32),
            pltpu.VMEM((B // NW,), jnp.float32),
            pltpu.SemaphoreType.DMA,
            pltpu.SemaphoreType.DMA,
        ],
    )
    return f(emb, delta_flat, xs, ys, hs_flat, ns_flat)


def _log_sigmoid(z):
    return jnp.minimum(z, 0.0) - jnp.log1p(jnp.exp(-jnp.abs(z)))


def _tc_body(x_ref, y_ref, h_ref, n_ref, delta_ref, et_ref, ht_ref, mask_ref,
             loss_ref):
    BB = x_ref.shape[0]
    x = x_ref[...]
    y = y_ref[...]
    delta = delta_ref[...]
    et = et_ref[...]
    ht = ht_ref[...]
    mask = mask_ref[...]

    d_time = jnp.abs(et - ht)
    xx = jnp.sum(x * x, axis=-1, keepdims=True)
    dxy = x - y
    p_mu = -jnp.sum(dxy * dxy, axis=-1, keepdims=True)

    alpha_cols = []
    hn2_cols = []
    for j in range(H):
        hj = h_ref[j]
        hn2_cols.append(jnp.sum(hj * hj, axis=-1, keepdims=True))
        xh = jnp.sum(x * hj, axis=-1, keepdims=True)
        alpha_cols.append(2.0 * xh - xx - hn2_cols[-1])
    alpha = jnp.concatenate(alpha_cols, axis=1)
    hn2 = jnp.concatenate(hn2_cols, axis=1)

    amax = jnp.max(alpha, axis=1, keepdims=True)
    ea = jnp.exp(alpha - amax)
    attn = ea / jnp.sum(ea, axis=1, keepdims=True)
    decay = jnp.exp(delta * d_time) * mask
    w = attn * decay
    p_lambda = p_mu[:, 0] + jnp.sum(w * alpha, axis=-1)

    W = jnp.sum(w, axis=1, keepdims=True)
    S2 = jnp.sum(w * hn2, axis=1, keepdims=True)
    hbar = jnp.zeros((BB, D), jnp.float32)
    for j in range(H):
        hbar = hbar + w[:, j:j + 1] * h_ref[j]

    loss = _log_sigmoid(p_lambda)
    for k in range(N):
        nk = n_ref[k]
        nn2 = jnp.sum(nk * nk, axis=-1, keepdims=True)
        xn = jnp.sum(x * nk, axis=-1, keepdims=True)
        hdotn = jnp.sum(hbar * nk, axis=-1, keepdims=True)
        n_lambda = (2.0 * xn - xx - nn2 - S2 - W * nn2
                    + 2.0 * hdotn)
        loss = loss - _log_sigmoid(n_lambda[:, 0])
    loss_ref[...] = loss[:, None]


def _tc_compute(x_e, y_e, hT, nT, delta, e_times, h_times, mask):
    BB = 512
    grid = (B // BB,)
    out = pl.pallas_call(
        _tc_body,
        grid=grid,
        compiler_params=pltpu.CompilerParams(
            vmem_limit_bytes=100 * 1024 * 1024),
        in_specs=[
            pl.BlockSpec((BB, D), lambda i: (i, 0)),
            pl.BlockSpec((BB, D), lambda i: (i, 0)),
            pl.BlockSpec((H, BB, D), lambda i: (0, i, 0)),
            pl.BlockSpec((N, BB, D), lambda i: (0, i, 0)),
            pl.BlockSpec((BB, 1), lambda i: (i, 0)),
            pl.BlockSpec((BB, 1), lambda i: (i, 0)),
            pl.BlockSpec((BB, H), lambda i: (i, 0)),
            pl.BlockSpec((BB, H), lambda i: (i, 0)),
        ],
        out_specs=pl.BlockSpec((BB, 1), lambda i: (i, 0)),
        out_shape=jax.ShapeDtypeStruct((B, 1), jnp.float32),
    )(x_e, y_e, hT, nT, delta, e_times, h_times, mask)
    return out[:, 0]


def kernel(xs, ys, e_times, hs, h_times, neg_node, h_times_mask, emb_table,
           delta_table):
    xs = xs.astype(jnp.int32)
    ys = ys.astype(jnp.int32)
    hsT_flat = hs.astype(jnp.int32).T.reshape(-1)
    nsT_flat = neg_node.astype(jnp.int32).T.reshape(-1)
    delta_flat = delta_table.reshape(-1)

    x_e, y_e, h_e, n_e, delta = _sc_gather(emb_table, delta_flat, xs, ys,
                                           hsT_flat, nsT_flat)
    return _tc_compute(x_e, y_e, h_e.reshape(H, B, D), n_e.reshape(N, B, D),
                       delta[:, None], e_times[:, None], h_times,
                       h_times_mask)

# --- scband reference (transcript-rebuilt; emitter-appended) ---
"""Pipeline reference for scband-htne-32083405701144 (READ-ONLY COPY).

The authoritative reference and input builder live on the scoring server;
editing this copy changes nothing except your own understanding.
"""

import jax, jax.numpy as jnp
import numpy as np

NODE_SIZE = 1000000
EMBED = 64
BATCH = 16384
HIST = 20
NEG = 5

def setup_inputs(seed: int = 0) -> dict:
    key = jax.random.key(seed)
    ks = jax.random.split(key, 8)
    xs = jax.random.randint(ks[0], (BATCH,), 0, NODE_SIZE)
    ys = jax.random.randint(ks[1], (BATCH,), 0, NODE_SIZE)
    e_times = jax.random.uniform(ks[2], (BATCH,), dtype=jnp.float32)
    hs = jax.random.randint(ks[3], (BATCH, HIST), 0, NODE_SIZE)
    h_times = jax.random.uniform(ks[4], (BATCH, HIST), dtype=jnp.float32)
    neg_node = jax.random.randint(ks[5], (BATCH, NEG), 0, NODE_SIZE)
    h_times_mask = jnp.ones((BATCH, HIST), dtype=jnp.float32)
    emb_table = jax.random.normal(ks[6], (NODE_SIZE, EMBED), dtype=jnp.float32) * 0.05
    delta_table = jnp.ones((NODE_SIZE, 1), dtype=jnp.float32)
    return {"xs": xs, "ys": ys, "e_times": e_times, "hs": hs, "h_times": h_times,
            "neg_node": neg_node, "h_times_mask": h_times_mask,
            "emb_table": emb_table, "delta_table": delta_table}

def reference(xs, ys, e_times, hs, h_times, neg_node, h_times_mask, emb_table, delta_table):
    # embedding lookups (gather)
    x_embed = jnp.take(emb_table, xs, axis=0)            # (B, D)
    y_embed = jnp.take(emb_table, ys, axis=0)            # (B, D)
    h_embed = jnp.take(emb_table, hs, axis=0)            # (B, H, D)
    n_embed = jnp.take(emb_table, neg_node, axis=0)      # (B, N, D)
    delta = jnp.take(delta_table, xs, axis=0)            # (B, 1)

    d_time = jnp.abs(e_times[:, None] - h_times)         # (B, H)
    p_mu = -jnp.sum(jnp.square(x_embed - y_embed), axis=-1)                     # (B,)
    alpha = -jnp.sum(jnp.square(x_embed[:, None, :] - h_embed), axis=-1)        # (B, H)
    attn = jax.nn.softmax(alpha, axis=1)                                        # (B, H)
    decay = jnp.exp(delta * d_time) * h_times_mask                              # (B, H)
    p_lambda = p_mu + jnp.sum(attn * alpha * decay, axis=-1)                    # (B,)

    n_mu = -jnp.sum(jnp.square(x_embed[:, None, :] - n_embed), axis=-1)         # (B, N)
    n_alpha = -jnp.sum(jnp.square(h_embed[:, :, None, :] - n_embed[:, None, :, :]), axis=-1)  # (B, H, N)
    n_lambda = n_mu + jnp.sum(attn[:, :, None] * n_alpha * decay[:, :, None], axis=1)         # (B, N)

    loss = jax.nn.log_sigmoid(p_lambda) - jnp.sum(jax.nn.log_sigmoid(n_lambda), axis=1)       # (B,)
    return loss

if __name__ == "__main__":
    import jax
    _d = setup_inputs()
    print(jax.jit(kernel)(*tuple(_d.values())))

</pallas_src>

<mosaic_0001>
#map = affine_map<(d0, d1) -> (0, 0)>
#map1 = affine_map<(d0, d1) -> (0)>
module attributes {stable_mosaic.version = 14 : i64} {
  func.func @_sc_gather_body(%arg0: i32, %arg1: i32, %arg2: memref<1000000x64xf32, #tpu.memory_space<hbm>>, %arg3: memref<1000000xf32, #tpu.memory_space<hbm>>, %arg4: memref<16384xi32, #tpu.memory_space<hbm>>, %arg5: memref<16384xi32, #tpu.memory_space<hbm>>, %arg6: memref<327680xi32, #tpu.memory_space<hbm>>, %arg7: memref<81920xi32, #tpu.memory_space<hbm>>, %arg8: memref<16384x64xf32, #tpu.memory_space<hbm>>, %arg9: memref<16384x64xf32, #tpu.memory_space<hbm>>, %arg10: memref<327680x64xf32, #tpu.memory_space<hbm>>, %arg11: memref<81920x64xf32, #tpu.memory_space<hbm>>, %arg12: memref<16384xf32, #tpu.memory_space<hbm>>, %arg13: memref<10240xi32, #tpu.memory_space<vmem>>, %arg14: memref<1024x64xf32, #tpu.memory_space<vmem>>, %arg15: memref<512xf32, #tpu.memory_space<vmem>>, %arg16: memref<!tpu.dma_semaphore, #tpu.memory_space<semaphore_mem>>, %arg17: memref<!tpu.dma_semaphore, #tpu.memory_space<semaphore_mem>>) attributes {dimension_semantics = [#tpu.dimension_semantics<core_parallel>, #tpu.dimension_semantics<subcore_parallel>], iteration_bounds = array<i64: 2, 16>, scalar_prefetch = 0 : i64, scratch_operands = 5 : i64, tpu.core_type = #tpu.core_type<sc_vector_subcore>, window_params = [{transform_indices = #map}, {transform_indices = #map1}, {transform_indices = #map1}, {transform_indices = #map1}, {transform_indices = #map1}, {transform_indices = #map1}, {transform_indices = #map}, {transform_indices = #map}, {transform_indices = #map}, {transform_indices = #map}, {transform_indices = #map1}]} {
    %mul3A = arith.constant 2 : i32
    %mul3A_0 = arith.muli %arg1, %mul3A : i32
    %add3A = arith.addi %mul3A_0, %arg0 : i32
    %mul3A_1 = arith.constant 512 : i32
    %mul3A_2 = arith.muli %add3A, %mul3A_1 : i32
    "tpu.region"() ({
      %run_scoped3A = tpu.sem_alloc : memref<!tpu.dma_semaphore, #tpu.memory_space<semaphore_mem>>
      %dma_start3A_190 = arith.constant 0 : i32
      %dma_start3A_191 = tpu.memref_slice %arg13[%dma_start3A_190] : memref<10240xi32, #tpu.memory_space<vmem>> -> memref<512xi32, #tpu.memory_space<vmem>>
      %dma_start3A_192 = tpu.memref_slice %arg4[%mul3A_2] : memref<16384xi32, #tpu.memory_space<hbm>> -> memref<512xi32, #tpu.memory_space<hbm>>
      %dma_start3A_193 = arith.constant 0 : i32
      %dma_start3A_194 = tpu.memref_slice %arg13[%dma_start3A_193] : memref<10240xi32, #tpu.memory_space<vmem>> -> memref<512xi32, #tpu.memory_space<vmem>>
      %dma_start3A_195 = tpu.memref_slice %arg4[%mul3A_2] : memref<16384xi32, #tpu.memory_space<hbm>> -> memref<512xi32, #tpu.memory_space<hbm>>
      tpu.enqueue_dma source(%dma_start3A_195 : memref<512xi32, #tpu.memory_space<hbm>>) target(%dma_start3A_194 : memref<512xi32, #tpu.memory_space<vmem>>) target_semaphore(%run_scoped3A : memref<!tpu.dma_semaphore, #tpu.memory_space<semaphore_mem>>)
      %dma_wait3A_196 = arith.constant 0 : i32
      %dma_wait3A_197 = tpu.memref_slice %arg13[%dma_wait3A_196] : memref<10240xi32, #tpu.memory_space<vmem>> -> memref<512xi32, #tpu.memory_space<vmem>>
      %dma_wait3A_198 = tpu.memref_slice %arg4[%mul3A_2] : memref<16384xi32, #tpu.memory_space<hbm>> -> memref<512xi32, #tpu.memory_space<hbm>>
      %dma_wait3A_199 = arith.constant 0 : i32
      %dma_wait3A_200 = tpu.memref_slice %arg13[%dma_wait3A_199] : memref<10240xi32, #tpu.memory_space<vmem>> -> memref<512xi32, #tpu.memory_space<vmem>>
      %dma_wait3A_201 = tpu.memref_slice %arg4[%mul3A_2] : memref<16384xi32, #tpu.memory_space<hbm>> -> memref<512xi32, #tpu.memory_space<hbm>>
      tpu.wait_dma2 semaphore(%run_scoped3A : memref<!tpu.dma_semaphore, #tpu.memory_space<semaphore_mem>>) src(%dma_wait3A_201 : memref<512xi32, #tpu.memory_space<hbm>>) dst(%dma_wait3A_200 : memref<512xi32, #tpu.memory_space<vmem>>)
      tpu.yield
    }) : () -> ()
    %dma_start3A = arith.constant 0 : i32
    %dma_start3A_3 = arith.constant 0 : i32
    %dma_start3A_4 = tpu.memref_slice %arg14[%dma_start3A, %dma_start3A_3] : memref<1024x64xf32, #tpu.memory_space<vmem>> -> memref<512x64xf32, #tpu.memory_space<vmem>>
    %dma_start3A_5 = arith.constant 0 : i32
    %dma_start3A_6 = tpu.memref_slice %arg13[%dma_start3A_5] : memref<10240xi32, #tpu.memory_space<vmem>> -> memref<512xi32, #tpu.memory_space<vmem>>
    %dma_start3A_7 = arith.constant 0 : i32
    %dma_start3A_8 = arith.constant 0 : i32
    %dma_start3A_9 = tpu.memref_slice %arg2[%dma_start3A_7, %dma_start3A_8] : memref<1000000x64xf32, #tpu.memory_space<hbm>> -> memref<1000000x64xf32, #tpu.memory_space<hbm>>
    tpu.enqueue_indirect_dma source(%dma_start3A_9 : memref<1000000x64xf32, #tpu.memory_space<hbm>>) target(%dma_start3A_4 : memref<512x64xf32, #tpu.memory_space<vmem>>) offsets(%dma_start3A_6 : memref<512xi32, #tpu.memory_space<vmem>>) semaphore(%arg16 : memref<!tpu.dma_semaphore, #tpu.memory_space<semaphore_mem>>)
    %scan3A = arith.constant 0 : i32
    %scan3A_10 = arith.constant 0 : i32
    %rem3A = arith.constant 2 : i32
    %rem3A_11 = arith.remsi %scan3A_10, %rem3A : i32
    %sub3A = arith.constant 1 : i32
    %sub3A_12 = arith.subi %sub3A, %rem3A_11 : i32
    %ge3A = arith.constant 1 : i32
    %ge3A_13 = arith.cmpi sge, %scan3A_10, %ge3A : i32
    %convert_element_type3A = arith.extui %ge3A_13 : i1 to i32
    %cond3A = arith.constant 0 : i32
    %cond3A_14 = arith.cmpi ne, %convert_element_type3A, %cond3A : i32
    scf.if %cond3A_14 {
      %sub3A_190 = arith.constant 1 : i32
      %sub3A_191 = arith.subi %scan3A_10, %sub3A_190 : i32
      %mul3A_192 = arith.constant 512 : i32
      %mul3A_193 = arith.muli %sub3A_12, %mul3A_192 : i32
      %mul3A_194 = arith.constant 512 : i32
      %mul3A_195 = arith.muli %sub3A_191, %mul3A_194 : i32
      %add3A_196 = arith.addi %mul3A_2, %mul3A_195 : i32
      %dma_wait3A_197 = arith.constant 0 : i32
      %dma_wait3A_198 = tpu.memref_slice %arg14[%mul3A_193, %dma_wait3A_197] : memref<1024x64xf32, #tpu.memory_space<vmem>> -> memref<512x64xf32, #tpu.memory_space<vmem>>
      %dma_wait3A_199 = arith.constant 0 : i32
      %dma_wait3A_200 = tpu.memref_slice %arg8[%add3A_196, %dma_wait3A_199] : memref<16384x64xf32, #tpu.memory_space<hbm>> -> memref<512x64xf32, #tpu.memory_space<hbm>>
      %dma_wait3A_201 = arith.constant 0 : i32
      %dma_wait3A_202 = tpu.memref_slice %arg8[%add3A_196, %dma_wait3A_201] : memref<16384x64xf32, #tpu.memory_space<hbm>> -> memref<512x64xf32, #tpu.memory_space<hbm>>
      %dma_wait3A_203 = arith.constant 0 : i32
      %dma_wait3A_204 = tpu.memref_slice %arg14[%mul3A_193, %dma_wait3A_203] : memref<1024x64xf32, #tpu.memory_space<vmem>> -> memref<512x64xf32, #tpu.memory_space<vmem>>
      tpu.wait_dma2 semaphore(%arg17 : memref<!tpu.dma_semaphore, #tpu.memory_space<semaphore_mem>>) src(%dma_wait3A_204 : memref<512x64xf32, #tpu.memory_space<vmem>>) dst(%dma_wait3A_202 : memref<512x64xf32, #tpu.memory_space<hbm>>)
    } else {
    }
    %add3A_15 = arith.constant 1 : i32
    %add3A_16 = arith.addi %scan3A_10, %add3A_15 : i32
    %lt3A = arith.constant 1 : i32
    %lt3A_17 = arith.cmpi slt, %add3A_16, %lt3A : i32
    %convert_element_type3A_18 = arith.extui %lt3A_17 : i1 to i32
    %cond3A_19 = arith.constant 0 : i32
    %cond3A_20 = arith.cmpi ne, %convert_element_type3A_18, %cond3A_19 : i32
    scf.if %cond3A_20 {
      %add3A_190 = arith.constant 1 : i32
      %add3A_191 = arith.addi %scan3A_10, %add3A_190 : i32
      %mul3A_192 = arith.constant 512 : i32
      %mul3A_193 = arith.muli %add3A_191, %mul3A_192 : i32
      %mul3A_194 = arith.constant 512 : i32
      %mul3A_195 = arith.muli %sub3A_12, %mul3A_194 : i32
      %dma_start3A_196 = arith.constant 0 : i32
      %dma_start3A_197 = tpu.memref_slice %arg14[%mul3A_195, %dma_start3A_196] : memref<1024x64xf32, #tpu.memory_space<vmem>> -> memref<512x64xf32, #tpu.memory_space<vmem>>
      %dma_start3A_198 = tpu.memref_slice %arg13[%mul3A_193] : memref<10240xi32, #tpu.memory_space<vmem>> -> memref<512xi32, #tpu.memory_space<vmem>>
      %dma_start3A_199 = arith.constant 0 : i32
      %dma_start3A_200 = arith.constant 0 : i32
      %dma_start3A_201 = tpu.memref_slice %arg2[%dma_start3A_199, %dma_start3A_200] : memref<1000000x64xf32, #tpu.memory_space<hbm>> -> memref<1000000x64xf32, #tpu.memory_space<hbm>>
      tpu.enqueue_indirect_dma source(%dma_start3A_201 : memref<1000000x64xf32, #tpu.memory_space<hbm>>) target(%dma_start3A_197 : memref<512x64xf32, #tpu.memory_space<vmem>>) offsets(%dma_start3A_198 : memref<512xi32, #tpu.memory_space<vmem>>) semaphore(%arg16 : memref<!tpu.dma_semaphore, #tpu.memory_space<semaphore_mem>>)
    } else {
    }
    %mul3A_21 = arith.constant 512 : i32
    %mul3A_22 = arith.muli %scan3A_10, %mul3A_21 : i32
    %mul3A_23 = arith.constant 512 : i32
    %mul3A_24 = arith.muli %rem3A_11, %mul3A_23 : i32
    %dma_wait3A = arith.constant 0 : i32
    %dma_wait3A_25 = tpu.memref_slice %arg14[%mul3A_24, %dma_wait3A] : memref<1024x64xf32, #tpu.memory_space<vmem>> -> memref<512x64xf32, #tpu.memory_space<vmem>>
    %dma_wait3A_26 = tpu.memref_slice %arg13[%mul3A_22] : memref<10240xi32, #tpu.memory_space<vmem>> -> memref<512xi32, #tpu.memory_space<vmem>>
    %dma_wait3A_27 = arith.constant 0 : i32
    %dma_wait3A_28 = arith.constant 0 : i32
    %dma_wait3A_29 = tpu.memref_slice %arg2[%dma_wait3A_27, %dma_wait3A_28] : memref<1000000x64xf32, #tpu.memory_space<hbm>> -> memref<1000000x64xf32, #tpu.memory_space<hbm>>
    tpu.wait_indirect_dma semaphore(%arg16 : memref<!tpu.dma_semaphore, #tpu.memory_space<semaphore_mem>>) src(%dma_wait3A_29 : memref<1000000x64xf32, #tpu.memory_space<hbm>>) dst(%dma_wait3A_25 : memref<512x64xf32, #tpu.memory_space<vmem>>)
    %mul3A_30 = arith.constant 512 : i32
    %mul3A_31 = arith.muli %rem3A_11, %mul3A_30 : i32
    %mul3A_32 = arith.constant 512 : i32
    %mul3A_33 = arith.muli %scan3A_10, %mul3A_32 : i32
    %add3A_34 = arith.addi %mul3A_2, %mul3A_33 : i32
    %dma_start3A_35 = arith.constant 0 : i32
    %dma_start3A_36 = tpu.memref_slice %arg14[%mul3A_31, %dma_start3A_35] : memref<1024x64xf32, #tpu.memory_space<vmem>> -> memref<512x64xf32, #tpu.memory_space<vmem>>
    %dma_start3A_37 = arith.constant 0 : i32
    %dma_start3A_38 = tpu.memref_slice %arg8[%add3A_34, %dma_start3A_37] : memref<16384x64xf32, #tpu.memory_space<hbm>> -> memref<512x64xf32, #tpu.memory_space<hbm>>
    %dma_start3A_39 = arith.constant 0 : i32
    %dma_start3A_40 = tpu.memref_slice %arg8[%add3A_34, %dma_start3A_39] : memref<16384x64xf32, #tpu.memory_space<hbm>> -> memref<512x64xf32, #tpu.memory_space<hbm>>
    %dma_start3A_41 = arith.constant 0 : i32
    %dma_start3A_42 = tpu.memref_slice %arg14[%mul3A_31, %dma_start3A_41] : memref<1024x64xf32, #tpu.memory_space<vmem>> -> memref<512x64xf32, #tpu.memory_space<vmem>>
    tpu.enqueue_dma source(%dma_start3A_42 : memref<512x64xf32, #tpu.memory_space<vmem>>) target(%dma_start3A_40 : memref<512x64xf32, #tpu.memory_space<hbm>>) target_semaphore(%arg17 : memref<!tpu.dma_semaphore, #tpu.memory_space<semaphore_mem>>)
    %scan3A_43 = arith.constant 0 : i32
    %scan3A_44 = arith.constant 1 : i32
    %add3A_45 = arith.constant 0 : i32
    %add3A_46 = arith.addi %mul3A_2, %add3A_45 : i32
    %dma_wait3A_47 = arith.constant 0 : i32
    %dma_wait3A_48 = arith.constant 0 : i32
    %dma_wait3A_49 = tpu.memref_slice %arg14[%dma_wait3A_47, %dma_wait3A_48] : memref<1024x64xf32, #tpu.memory_space<vmem>> -> memref<512x64xf32, #tpu.memory_space<vmem>>
    %dma_wait3A_50 = arith.constant 0 : i32
    %dma_wait3A_51 = tpu.memref_slice %arg8[%add3A_46, %dma_wait3A_50] : memref<16384x64xf32, #tpu.memory_space<hbm>> -> memref<512x64xf32, #tpu.memory_space<hbm>>
    %dma_wait3A_52 = arith.constant 0 : i32
    %dma_wait3A_53 = tpu.memref_slice %arg8[%add3A_46, %dma_wait3A_52] : memref<16384x64xf32, #tpu.memory_space<hbm>> -> memref<512x64xf32, #tpu.memory_space<hbm>>
    %dma_wait3A_54 = arith.constant 0 : i32
    %dma_wait3A_55 = arith.constant 0 : i32
    %dma_wait3A_56 = tpu.memref_slice %arg14[%dma_wait3A_54, %dma_wait3A_55] : memref<1024x64xf32, #tpu.memory_space<vmem>> -> memref<512x64xf32, #tpu.memory_space<vmem>>
    tpu.wait_dma2 semaphore(%arg17 : memref<!tpu.dma_semaphore, #tpu.memory_space<semaphore_mem>>) src(%dma_wait3A_56 : memref<512x64xf32, #tpu.memory_space<vmem>>) dst(%dma_wait3A_53 : memref<512x64xf32, #tpu.memory_space<hbm>>)
    %mul3A_57 = arith.constant 512 : i32
    %mul3A_58 = arith.muli %add3A, %mul3A_57 : i32
    "tpu.region"() ({
      %run_scoped3A = tpu.sem_alloc : memref<!tpu.dma_semaphore, #tpu.memory_space<semaphore_mem>>
      %dma_start3A_190 = arith.constant 0 : i32
      %dma_start3A_191 = tpu.memref_slice %arg13[%dma_start3A_190] : memref<10240xi32, #tpu.memory_space<vmem>> -> memref<512xi32, #tpu.memory_space<vmem>>
      %dma_start3A_192 = tpu.memref_slice %arg5[%mul3A_58] : memref<16384xi32, #tpu.memory_space<hbm>> -> memref<512xi32, #tpu.memory_space<hbm>>
      %dma_start3A_193 = arith.constant 0 : i32
      %dma_start3A_194 = tpu.memref_slice %arg13[%dma_start3A_193] : memref<10240xi32, #tpu.memory_space<vmem>> -> memref<512xi32, #tpu.memory_space<vmem>>
      %dma_start3A_195 = tpu.memref_slice %arg5[%mul3A_58] : memref<16384xi32, #tpu.memory_space<hbm>> -> memref<512xi32, #tpu.memory_space<hbm>>
      tpu.enqueue_dma source(%dma_start3A_195 : memref<512xi32, #tpu.memory_space<hbm>>) target(%dma_start3A_194 : memref<512xi32, #tpu.memory_space<vmem>>) target_semaphore(%run_scoped3A : memref<!tpu.dma_semaphore, #tpu.memory_space<semaphore_mem>>)
      %dma_wait3A_196 = arith.constant 0 : i32
      %dma_wait3A_197 = tpu.memref_slice %arg13[%dma_wait3A_196] : memref<10240xi32, #tpu.memory_space<vmem>> -> memref<512xi32, #tpu.memory_space<vmem>>
      %dma_wait3A_198 = tpu.memref_slice %arg5[%mul3A_58] : memref<16384xi32, #tpu.memory_space<hbm>> -> memref<512xi32, #tpu.memory_space<hbm>>
      %dma_wait3A_199 = arith.constant 0 : i32
      %dma_wait3A_200 = tpu.memref_slice %arg13[%dma_wait3A_199] : memref<10240xi32, #tpu.memory_space<vmem>> -> memref<512xi32, #tpu.memory_space<vmem>>
      %dma_wait3A_201 = tpu.memref_slice %arg5[%mul3A_58] : memref<16384xi32, #tpu.memory_space<hbm>> -> memref<512xi32, #tpu.memory_space<hbm>>
      tpu.wait_dma2 semaphore(%run_scoped3A : memref<!tpu.dma_semaphore, #tpu.memory_space<semaphore_mem>>) src(%dma_wait3A_201 : memref<512xi32, #tpu.memory_space<hbm>>) dst(%dma_wait3A_200 : memref<512xi32, #tpu.memory_space<vmem>>)
      tpu.yield
    }) : () -> ()
    %dma_start3A_59 = arith.constant 0 : i32
    %dma_start3A_60 = arith.constant 0 : i32
    %dma_start3A_61 = tpu.memref_slice %arg14[%dma_start3A_59, %dma_start3A_60] : memref<1024x64xf32, #tpu.memory_space<vmem>> -> memref<512x64xf32, #tpu.memory_space<vmem>>
    %dma_start3A_62 = arith.constant 0 : i32
    %dma_start3A_63 = tpu.memref_slice %arg13[%dma_start3A_62] : memref<10240xi32, #tpu.memory_space<vmem>> -> memref<512xi32, #tpu.memory_space<vmem>>
    %dma_start3A_64 = arith.constant 0 : i32
    %dma_start3A_65 = arith.constant 0 : i32
    %dma_start3A_66 = tpu.memref_slice %arg2[%dma_start3A_64, %dma_start3A_65] : memref<1000000x64xf32, #tpu.memory_space<hbm>> -> memref<1000000x64xf32, #tpu.memory_space<hbm>>
    tpu.enqueue_indirect_dma source(%dma_start3A_66 : memref<1000000x64xf32, #tpu.memory_space<hbm>>) target(%dma_start3A_61 : memref<512x64xf32, #tpu.memory_space<vmem>>) offsets(%dma_start3A_63 : memref<512xi32, #tpu.memory_space<vmem>>) semaphore(%arg16 : memref<!tpu.dma_semaphore, #tpu.memory_space<semaphore_mem>>)
    %scan3A_67 = arith.constant 0 : i32
    %scan3A_68 = arith.constant 0 : i32
    %rem3A_69 = arith.constant 2 : i32
    %rem3A_70 = arith.remsi %scan3A_68, %rem3A_69 : i32
    %sub3A_71 = arith.constant 1 : i32
    %sub3A_72 = arith.subi %sub3A_71, %rem3A_70 : i32
    %ge3A_73 = arith.constant 1 : i32
    %ge3A_74 = arith.cmpi sge, %scan3A_68, %ge3A_73 : i32
    %convert_element_type3A_75 = arith.extui %ge3A_74 : i1 to i32
    %cond3A_76 = arith.constant 0 : i32
    %cond3A_77 = arith.cmpi ne, %convert_element_type3A_75, %cond3A_76 : i32
    scf.if %cond3A_77 {
      %sub3A_190 = arith.constant 1 : i32
      %sub3A_191 = arith.subi %scan3A_68, %sub3A_190 : i32
      %mul3A_192 = arith.constant 512 : i32
      %mul3A_193 = arith.muli %sub3A_72, %mul3A_192 : i32
      %mul3A_194 = arith.constant 512 : i32
      %mul3A_195 = arith.muli %sub3A_191, %mul3A_194 : i32
      %add3A_196 = arith.addi %mul3A_58, %mul3A_195 : i32
      %dma_wait3A_197 = arith.constant 0 : i32
      %dma_wait3A_198 = tpu.memref_slice %arg14[%mul3A_193, %dma_wait3A_197] : memref<1024x64xf32, #tpu.memory_space<vmem>> -> memref<512x64xf32, #tpu.memory_space<vmem>>
      %dma_wait3A_199 = arith.constant 0 : i32
      %dma_wait3A_200 = tpu.memref_slice %arg9[%add3A_196, %dma_wait3A_199] : memref<16384x64xf32, #tpu.memory_space<hbm>> -> memref<512x64xf32, #tpu.memory_space<hbm>>
      %dma_wait3A_201 = arith.constant 0 : i32
      %dma_wait3A_202 = tpu.memref_slice %arg9[%add3A_196, %dma_wait3A_201] : memref<16384x64xf32, #tpu.memory_space<hbm>> -> memref<512x64xf32, #tpu.memory_space<hbm>>
      %dma_wait3A_203 = arith.constant 0 : i32
      %dma_wait3A_204 = tpu.memref_slice %arg14[%mul3A_193, %dma_wait3A_203] : memref<1024x64xf32, #tpu.memory_space<vmem>> -> memref<512x64xf32, #tpu.memory_space<vmem>>
      tpu.wait_dma2 semaphore(%arg17 : memref<!tpu.dma_semaphore, #tpu.memory_space<semaphore_mem>>) src(%dma_wait3A_204 : memref<512x64xf32, #tpu.memory_space<vmem>>) dst(%dma_wait3A_202 : memref<512x64xf32, #tpu.memory_space<hbm>>)
    } else {
    }
    %add3A_78 = arith.constant 1 : i32
    %add3A_79 = arith.addi %scan3A_68, %add3A_78 : i32
    %lt3A_80 = arith.constant 1 : i32
    %lt3A_81 = arith.cmpi slt, %add3A_79, %lt3A_80 : i32
    %convert_element_type3A_82 = arith.extui %lt3A_81 : i1 to i32
    %cond3A_83 = arith.constant 0 : i32
    %cond3A_84 = arith.cmpi ne, %convert_element_type3A_82, %cond3A_83 : i32
    scf.if %cond3A_84 {
      %add3A_190 = arith.constant 1 : i32
      %add3A_191 = arith.addi %scan3A_68, %add3A_190 : i32
      %mul3A_192 = arith.constant 512 : i32
      %mul3A_193 = arith.muli %add3A_191, %mul3A_192 : i32
      %mul3A_194 = arith.constant 512 : i32
      %mul3A_195 = arith.muli %sub3A_72, %mul3A_194 : i32
      %dma_start3A_196 = arith.constant 0 : i32
      %dma_start3A_197 = tpu.memref_slice %arg14[%mul3A_195, %dma_start3A_196] : memref<1024x64xf32, #tpu.memory_space<vmem>> -> memref<512x64xf32, #tpu.memory_space<vmem>>
      %dma_start3A_198 = tpu.memref_slice %arg13[%mul3A_193] : memref<10240xi32, #tpu.memory_space<vmem>> -> memref<512xi32, #tpu.memory_space<vmem>>
      %dma_start3A_199 = arith.constant 0 : i32
      %dma_start3A_200 = arith.constant 0 : i32
      %dma_start3A_201 = tpu.memref_slice %arg2[%dma_start3A_199, %dma_start3A_200] : memref<1000000x64xf32, #tpu.memory_space<hbm>> -> memref<1000000x64xf32, #tpu.memory_space<hbm>>
      tpu.enqueue_indirect_dma source(%dma_start3A_201 : memref<1000000x64xf32, #tpu.memory_space<hbm>>) target(%dma_start3A_197 : memref<512x64xf32, #tpu.memory_space<vmem>>) offsets(%dma_start3A_198 : memref<512xi32, #tpu.memory_space<vmem>>) semaphore(%arg16 : memref<!tpu.dma_semaphore, #tpu.memory_space<semaphore_mem>>)
    } else {
    }
    %mul3A_85 = arith.constant 512 : i32
    %mul3A_86 = arith.muli %scan3A_68, %mul3A_85 : i32
    %mul3A_87 = arith.constant 512 : i32
    %mul3A_88 = arith.muli %rem3A_70, %mul3A_87 : i32
    %dma_wait3A_89 = arith.constant 0 : i32
    %dma_wait3A_90 = tpu.memref_slice %arg14[%mul3A_88, %dma_wait3A_89] : memref<1024x64xf32, #tpu.memory_space<vmem>> -> memref<512x64xf32, #tpu.memory_space<vmem>>
    %dma_wait3A_91 = tpu.memref_slice %arg13[%mul3A_86] : memref<10240xi32, #tpu.memory_space<vmem>> -> memref<512xi32, #tpu.memory_space<vmem>>
    %dma_wait3A_92 = arith.constant 0 : i32
    %dma_wait3A_93 = arith.constant 0 : i32
    %dma_wait3A_94 = tpu.memref_slice %arg2[%dma_wait3A_92, %dma_wait3A_93] : memref<1000000x64xf32, #tpu.memory_space<hbm>> -> memref<1000000x64xf32, #tpu.memory_space<hbm>>
    tpu.wait_indirect_dma semaphore(%arg16 : memref<!tpu.dma_semaphore, #tpu.memory_space<semaphore_mem>>) src(%dma_wait3A_94 : memref<1000000x64xf32, #tpu.memory_space<hbm>>) dst(%dma_wait3A_90 : memref<512x64xf32, #tpu.memory_space<vmem>>)
    %mul3A_95 = arith.constant 512 : i32
    %mul3A_96 = arith.muli %rem3A_70, %mul3A_95 : i32
    %mul3A_97 = arith.constant 512 : i32
    %mul3A_98 = arith.muli %scan3A_68, %mul3A_97 : i32
    %add3A_99 = arith.addi %mul3A_58, %mul3A_98 : i32
    %dma_start3A_100 = arith.constant 0 : i32
    %dma_start3A_101 = tpu.memref_slice %arg14[%mul3A_96, %dma_start3A_100] : memref<1024x64xf32, #tpu.memory_space<vmem>> -> memref<512x64xf32, #tpu.memory_space<vmem>>
    %dma_start3A_102 = arith.constant 0 : i32
    %dma_start3A_103 = tpu.memref_slice %arg9[%add3A_99, %dma_start3A_102] : memref<16384x64xf32, #tpu.memory_space<hbm>> -> memref<512x64xf32, #tpu.memory_space<hbm>>
    %dma_start3A_104 = arith.constant 0 : i32
    %dma_start3A_105 = tpu.memref_slice %arg9[%add3A_99, %dma_start3A_104] : memref<16384x64xf32, #tpu.memory_space<hbm>> -> memref<512x64xf32, #tpu.memory_space<hbm>>
    %dma_start3A_106 = arith.constant 0 : i32
    %dma_start3A_107 = tpu.memref_slice %arg14[%mul3A_96, %dma_start3A_106] : memref<1024x64xf32, #tpu.memory_space<vmem>> -> memref<512x64xf32, #tpu.memory_space<vmem>>
    tpu.enqueue_dma source(%dma_start3A_107 : memref<512x64xf32, #tpu.memory_space<vmem>>) target(%dma_start3A_105 : memref<512x64xf32, #tpu.memory_space<hbm>>) target_semaphore(%arg17 : memref<!tpu.dma_semaphore, #tpu.memory_space<semaphore_mem>>)
    %scan3A_108 = arith.constant 0 : i32
    %scan3A_109 = arith.constant 1 : i32
    %add3A_110 = arith.constant 0 : i32
    %add3A_111 = arith.addi %mul3A_58, %add3A_110 : i32
    %dma_wait3A_112 = arith.constant 0 : i32
    %dma_wait3A_113 = arith.constant 0 : i32
    %dma_wait3A_114 = tpu.memref_slice %arg14[%dma_wait3A_112, %dma_wait3A_113] : memref<1024x64xf32, #tpu.memory_space<vmem>> -> memref<512x64xf32, #tpu.memory_space<vmem>>
    %dma_wait3A_115 = arith.constant 0 : i32
    %dma_wait3A_116 = tpu.memref_slice %arg9[%add3A_111, %dma_wait3A_115] : memref<16384x64xf32, #tpu.memory_space<hbm>> -> memref<512x64xf32, #tpu.memory_space<hbm>>
    %dma_wait3A_117 = arith.constant 0 : i32
    %dma_wait3A_118 = tpu.memref_slice %arg9[%add3A_111, %dma_wait3A_117] : memref<16384x64xf32, #tpu.memory_space<hbm>> -> memref<512x64xf32, #tpu.memory_space<hbm>>
    %dma_wait3A_119 = arith.constant 0 : i32
    %dma_wait3A_120 = arith.constant 0 : i32
    %dma_wait3A_121 = tpu.memref_slice %arg14[%dma_wait3A_119, %dma_wait3A_120] : memref<1024x64xf32, #tpu.memory_space<vmem>> -> memref<512x64xf32, #tpu.memory_space<vmem>>
    tpu.wait_dma2 semaphore(%arg17 : memref<!tpu.dma_semaphore, #tpu.memory_space<semaphore_mem>>) src(%dma_wait3A_121 : memref<512x64xf32, #tpu.memory_space<vmem>>) dst(%dma_wait3A_118 : memref<512x64xf32, #tpu.memory_space<hbm>>)
    %mul3A_122 = arith.constant 10240 : i32
    %mul3A_123 = arith.muli %add3A, %mul3A_122 : i32
    "tpu.region"() ({
      %run_scoped3A = tpu.sem_alloc : memref<!tpu.dma_semaphore, #tpu.memory_space<semaphore_mem>>
      %dma_start3A_190 = arith.constant 0 : i32
      %dma_start3A_191 = tpu.memref_slice %arg13[%dma_start3A_190] : memref<10240xi32, #tpu.memory_space<vmem>> -> memref<10240xi32, #tpu.memory_space<vmem>>
      %dma_start3A_192 = tpu.memref_slice %arg6[%mul3A_123] : memref<327680xi32, #tpu.memory_space<hbm>> -> memref<10240xi32, #tpu.memory_space<hbm>>
      %dma_start3A_193 = arith.constant 0 : i32
      %dma_start3A_194 = tpu.memref_slice %arg13[%dma_start3A_193] : memref<10240xi32, #tpu.memory_space<vmem>> -> memref<10240xi32, #tpu.memory_space<vmem>>
      %dma_start3A_195 = tpu.memref_slice %arg6[%mul3A_123] : memref<327680xi32, #tpu.memory_space<hbm>> -> memref<10240xi32, #tpu.memory_space<hbm>>
      tpu.enqueue_dma source(%dma_start3A_195 : memref<10240xi32, #tpu.memory_space<hbm>>) target(%dma_start3A_194 : memref<10240xi32, #tpu.memory_space<vmem>>) target_semaphore(%run_scoped3A : memref<!tpu.dma_semaphore, #tpu.memory_space<semaphore_mem>>)
      %dma_wait3A_196 = arith.constant 0 : i32
      %dma_wait3A_197 = tpu.memref_slice %arg13[%dma_wait3A_196] : memref<10240xi32, #tpu.memory_space<vmem>> -> memref<10240xi32, #tpu.memory_space<vmem>>
      %dma_wait3A_198 = tpu.memref_slice %arg6[%mul3A_123] : memref<327680xi32, #tpu.memory_space<hbm>> -> memref<10240xi32, #tpu.memory_space<hbm>>
      %dma_wait3A_199 = arith.constant 0 : i32
      %dma_wait3A_200 = tpu.memref_slice %arg13[%dma_wait3A_199] : memref<10240xi32, #tpu.memory_space<vmem>> -> memref<10240xi32, #tpu.memory_space<vmem>>
      %dma_wait3A_201 = tpu.memref_slice %arg6[%mul3A_123] : memref<327680xi32, #tpu.memory_space<hbm>> -> memref<10240xi32, #tpu.memory_space<hbm>>
      tpu.wait_dma2 semaphore(%run_scoped3A : memref<!tpu.dma_semaphore, #tpu.memory_space<semaphore_mem>>) src(%dma_wait3A_201 : memref<10240xi32, #tpu.memory_space<hbm>>) dst(%dma_wait3A_200 : memref<10240xi32, #tpu.memory_space<vmem>>)
      tpu.yield
    }) : () -> ()
    %dma_start3A_124 = arith.constant 0 : i32
    %dma_start3A_125 = arith.constant 0 : i32
    %dma_start3A_126 = tpu.memref_slice %arg14[%dma_start3A_124, %dma_start3A_125] : memref<1024x64xf32, #tpu.memory_space<vmem>> -> memref<512x64xf32, #tpu.memory_space<vmem>>
    %dma_start3A_127 = arith.constant 0 : i32
    %dma_start3A_128 = tpu.memref_slice %arg13[%dma_start3A_127] : memref<10240xi32, #tpu.memory_space<vmem>> -> memref<512xi32, #tpu.memory_space<vmem>>
    %dma_start3A_129 = arith.constant 0 : i32
    %dma_start3A_130 = arith.constant 0 : i32
    %dma_start3A_131 = tpu.memref_slice %arg2[%dma_start3A_129, %dma_start3A_130] : memref<1000000x64xf32, #tpu.memory_space<hbm>> -> memref<1000000x64xf32, #tpu.memory_space<hbm>>
    tpu.enqueue_indirect_dma source(%dma_start3A_131 : memref<1000000x64xf32, #tpu.memory_space<hbm>>) target(%dma_start3A_126 : memref<512x64xf32, #tpu.memory_space<vmem>>) offsets(%dma_start3A_128 : memref<512xi32, #tpu.memory_space<vmem>>) semaphore(%arg16 : memref<!tpu.dma_semaphore, #tpu.memory_space<semaphore_mem>>)
    %scan3A_132 = arith.constant 0 : i32
    %scan3A_133 = arith.constant 0 : i32
    %scan3A_134 = arith.constant 20 : i32
    %scan3A_135 = arith.addi %scan3A_133, %scan3A_134 : i32
    %scan3A_136 = arith.constant 1 : i32
    %scan3A_137 = scf.for %scan3A_190 = %scan3A_133 to %scan3A_135 step %scan3A_136 iter_args(%scan3A_191 = %scan3A_132) -> (i32)  : i32 {
      %rem3A_192 = arith.constant 2 : i32
      %rem3A_193 = arith.remsi %scan3A_190, %rem3A_192 : i32
      %sub3A_194 = arith.constant 1 : i32
      %sub3A_195 = arith.subi %sub3A_194, %rem3A_193 : i32
      %ge3A_196 = arith.constant 1 : i32
      %ge3A_197 = arith.cmpi sge, %scan3A_190, %ge3A_196 : i32
      %convert_element_type3A_198 = arith.extui %ge3A_197 : i1 to i32
      %cond3A_199 = arith.constant 0 : i32
      %cond3A_200 = arith.cmpi ne, %convert_element_type3A_198, %cond3A_199 : i32
      scf.if %cond3A_200 {
        %sub3A_232 = arith.constant 1 : i32
        %sub3A_233 = arith.subi %scan3A_190, %sub3A_232 : i32
        %mul3A_234 = arith.constant 512 : i32
        %mul3A_235 = arith.muli %sub3A_195, %mul3A_234 : i32
        %mul3A_236 = arith.constant 512 : i32
        %mul3A_237 = arith.muli %sub3A_233, %mul3A_236 : i32
        %add3A_238 = arith.addi %mul3A_123, %mul3A_237 : i32
        %dma_wait3A_239 = arith.constant 0 : i32
        %dma_wait3A_240 = tpu.memref_slice %arg14[%mul3A_235, %dma_wait3A_239] : memref<1024x64xf32, #tpu.memory_space<vmem>> -> memref<512x64xf32, #tpu.memory_space<vmem>>
        %dma_wait3A_241 = arith.constant 0 : i32
        %dma_wait3A_242 = tpu.memref_slice %arg10[%add3A_238, %dma_wait3A_241] : memref<327680x64xf32, #tpu.memory_space<hbm>> -> memref<512x64xf32, #tpu.memory_space<hbm>>
        %dma_wait3A_243 = arith.constant 0 : i32
        %dma_wait3A_244 = tpu.memref_slice %arg10[%add3A_238, %dma_wait3A_243] : memref<327680x64xf32, #tpu.memory_space<hbm>> -> memref<512x64xf32, #tpu.memory_space<hbm>>
        %dma_wait3A_245 = arith.constant 0 : i32
        %dma_wait3A_246 = tpu.memref_slice %arg14[%mul3A_235, %dma_wait3A_245] : memref<1024x64xf32, #tpu.memory_space<vmem>> -> memref<512x64xf32, #tpu.memory_space<vmem>>
        tpu.wait_dma2 semaphore(%arg17 : memref<!tpu.dma_semaphore, #tpu.memory_space<semaphore_mem>>) src(%dma_wait3A_246 : memref<512x64xf32, #tpu.memory_space<vmem>>) dst(%dma_wait3A_244 : memref<512x64xf32, #tpu.memory_space<hbm>>)
      } else {
      }
      %add3A_201 = arith.constant 1 : i32
      %add3A_202 = arith.addi %scan3A_190, %add3A_201 : i32
      %lt3A_203 = arith.constant 20 : i32
      %lt3A_204 = arith.cmpi slt, %add3A_202, %lt3A_203 : i32
      %convert_element_type3A_205 = arith.extui %lt3A_204 : i1 to i32
      %cond3A_206 = arith.constant 0 : i32
      %cond3A_207 = arith.cmpi ne, %convert_element_type3A_205, %cond3A_206 : i32
      scf.if %cond3A_207 {
        %add3A_232 = arith.constant 1 : i32
        %add3A_233 = arith.addi %scan3A_190, %add3A_232 : i32
        %mul3A_234 = arith.constant 512 : i32
        %mul3A_235 = arith.muli %add3A_233, %mul3A_234 : i32
        %mul3A_236 = arith.constant 512 : i32
        %mul3A_237 = arith.muli %sub3A_195, %mul3A_236 : i32
        %dma_start3A_238 = arith.constant 0 : i32
        %dma_start3A_239 = tpu.memref_slice %arg14[%mul3A_237, %dma_start3A_238] : memref<1024x64xf32, #tpu.memory_space<vmem>> -> memref<512x64xf32, #tpu.memory_space<vmem>>
        %dma_start3A_240 = tpu.memref_slice %arg13[%mul3A_235] : memref<10240xi32, #tpu.memory_space<vmem>> -> memref<512xi32, #tpu.memory_space<vmem>>
        %dma_start3A_241 = arith.constant 0 : i32
        %dma_start3A_242 = arith.constant 0 : i32
        %dma_start3A_243 = tpu.memref_slice %arg2[%dma_start3A_241, %dma_start3A_242] : memref<1000000x64xf32, #tpu.memory_space<hbm>> -> memref<1000000x64xf32, #tpu.memory_space<hbm>>
        tpu.enqueue_indirect_dma source(%dma_start3A_243 : memref<1000000x64xf32, #tpu.memory_space<hbm>>) target(%dma_start3A_239 : memref<512x64xf32, #tpu.memory_space<vmem>>) offsets(%dma_start3A_240 : memref<512xi32, #tpu.memory_space<vmem>>) semaphore(%arg16 : memref<!tpu.dma_semaphore, #tpu.memory_space<semaphore_mem>>)
      } else {
      }
      %mul3A_208 = arith.constant 512 : i32
      %mul3A_209 = arith.muli %scan3A_190, %mul3A_208 : i32
      %mul3A_210 = arith.constant 512 : i32
      %mul3A_211 = arith.muli %rem3A_193, %mul3A_210 : i32
      %dma_wait3A_212 = arith.constant 0 : i32
      %dma_wait3A_213 = tpu.memref_slice %arg14[%mul3A_211, %dma_wait3A_212] : memref<1024x64xf32, #tpu.memory_space<vmem>> -> memref<512x64xf32, #tpu.memory_space<vmem>>
      %dma_wait3A_214 = tpu.memref_slice %arg13[%mul3A_209] : memref<10240xi32, #tpu.memory_space<vmem>> -> memref<512xi32, #tpu.memory_space<vmem>>
      %dma_wait3A_215 = arith.constant 0 : i32
      %dma_wait3A_216 = arith.constant 0 : i32
      %dma_wait3A_217 = tpu.memref_slice %arg2[%dma_wait3A_215, %dma_wait3A_216] : memref<1000000x64xf32, #tpu.memory_space<hbm>> -> memref<1000000x64xf32, #tpu.memory_space<hbm>>
      tpu.wait_indirect_dma semaphore(%arg16 : memref<!tpu.dma_semaphore, #tpu.memory_space<semaphore_mem>>) src(%dma_wait3A_217 : memref<1000000x64xf32, #tpu.memory_space<hbm>>) dst(%dma_wait3A_213 : memref<512x64xf32, #tpu.memory_space<vmem>>)
      %mul3A_218 = arith.constant 512 : i32
      %mul3A_219 = arith.muli %rem3A_193, %mul3A_218 : i32
      %mul3A_220 = arith.constant 512 : i32
      %mul3A_221 = arith.muli %scan3A_190, %mul3A_220 : i32
      %add3A_222 = arith.addi %mul3A_123, %mul3A_221 : i32
      %dma_start3A_223 = arith.constant 0 : i32
      %dma_start3A_224 = tpu.memref_slice %arg14[%mul3A_219, %dma_start3A_223] : memref<1024x64xf32, #tpu.memory_space<vmem>> -> memref<512x64xf32, #tpu.memory_space<vmem>>
      %dma_start3A_225 = arith.constant 0 : i32
      %dma_start3A_226 = tpu.memref_slice %arg10[%add3A_222, %dma_start3A_225] : memref<327680x64xf32, #tpu.memory_space<hbm>> -> memref<512x64xf32, #tpu.memory_space<hbm>>
      %dma_start3A_227 = arith.constant 0 : i32
      %dma_start3A_228 = tpu.memref_slice %arg10[%add3A_222, %dma_start3A_227] : memref<327680x64xf32, #tpu.memory_space<hbm>> -> memref<512x64xf32, #tpu.memory_space<hbm>>
      %dma_start3A_229 = arith.constant 0 : i32
      %dma_start3A_230 = tpu.memref_slice %arg14[%mul3A_219, %dma_start3A_229] : memref<1024x64xf32, #tpu.memory_space<vmem>> -> memref<512x64xf32, #tpu.memory_space<vmem>>
      tpu.enqueue_dma source(%dma_start3A_230 : memref<512x64xf32, #tpu.memory_space<vmem>>) target(%dma_start3A_228 : memref<512x64xf32, #tpu.memory_space<hbm>>) target_semaphore(%arg17 : memref<!tpu.dma_semaphore, #tpu.memory_space<semaphore_mem>>)
      %scan3A_231 = arith.constant 0 : i32
      scf.yield %scan3A_231 : i32
    }
    %scan3A_138 = arith.constant 20 : i32
    %add3A_139 = arith.constant 9728 : i32
    %add3A_140 = arith.addi %mul3A_123, %add3A_139 : i32
    %dma_wait3A_141 = arith.constant 512 : i32
    %dma_wait3A_142 = arith.constant 0 : i32
    %dma_wait3A_143 = tpu.memref_slice %arg14[%dma_wait3A_141, %dma_wait3A_142] : memref<1024x64xf32, #tpu.memory_space<vmem>> -> memref<512x64xf32, #tpu.memory_space<vmem>>
    %dma_wait3A_144 = arith.constant 0 : i32
    %dma_wait3A_145 = tpu.memref_slice %arg10[%add3A_140, %dma_wait3A_144] : memref<327680x64xf32, #tpu.memory_space<hbm>> -> memref<512x64xf32, #tpu.memory_space<hbm>>
    %dma_wait3A_146 = arith.constant 0 : i32
    %dma_wait3A_147 = tpu.memref_slice %arg10[%add3A_140, %dma_wait3A_146] : memref<327680x64xf32, #tpu.memory_space<hbm>> -> memref<512x64xf32, #tpu.memory_space<hbm>>
    %dma_wait3A_148 = arith.constant 512 : i32
    %dma_wait3A_149 = arith.constant 0 : i32
    %dma_wait3A_150 = tpu.memref_slice %arg14[%dma_wait3A_148, %dma_wait3A_149] : memref<1024x64xf32, #tpu.memory_space<vmem>> -> memref<512x64xf32, #tpu.memory_space<vmem>>
    tpu.wait_dma2 semaphore(%arg17 : memref<!tpu.dma_semaphore, #tpu.memory_space<semaphore_mem>>) src(%dma_wait3A_150 : memref<512x64xf32, #tpu.memory_space<vmem>>) dst(%dma_wait3A_147 : memref<512x64xf32, #tpu.memory_space<hbm>>)
    %mul3A_151 = arith.constant 2560 : i32
    %mul3A_152 = arith.muli %add3A, %mul3A_151 : i32
    "tpu.region"() ({
      %run_scoped3A = tpu.sem_alloc : memref<!tpu.dma_semaphore, #tpu.memory_space<semaphore_mem>>
      %dma_start3A_190 = arith.constant 0 : i32
      %dma_start3A_191 = tpu.memref_slice %arg13[%dma_start3A_190] : memref<10240xi32, #tpu.memory_space<vmem>> -> memref<2560xi32, #tpu.memory_space<vmem>>
      %dma_start3A_192 = tpu.memref_slice %arg7[%mul3A_152] : memref<81920xi32, #tpu.memory_space<hbm>> -> memref<2560xi32, #tpu.memory_space<hbm>>
      %dma_start3A_193 = arith.constant 0 : i32
      %dma_start3A_194 = tpu.memref_slice %arg13[%dma_start3A_193] : memref<10240xi32, #tpu.memory_space<vmem>> -> memref<2560xi32, #tpu.memory_space<vmem>>
      %dma_start3A_195 = tpu.memref_slice %arg7[%mul3A_152] : memref<81920xi32, #tpu.memory_space<hbm>> -> memref<2560xi32, #tpu.memory_space<hbm>>
      tpu.enqueue_dma source(%dma_start3A_195 : memref<2560xi32, #tpu.memory_space<hbm>>) target(%dma_start3A_194 : memref<2560xi32, #tpu.memory_space<vmem>>) target_semaphore(%run_scoped3A : memref<!tpu.dma_semaphore, #tpu.memory_space<semaphore_mem>>)
      %dma_wait3A_196 = arith.constant 0 : i32
      %dma_wait3A_197 = tpu.memref_slice %arg13[%dma_wait3A_196] : memref<10240xi32, #tpu.memory_space<vmem>> -> memref<2560xi32, #tpu.memory_space<vmem>>
      %dma_wait3A_198 = tpu.memref_slice %arg7[%mul3A_152] : memref<81920xi32, #tpu.memory_space<hbm>> -> memref<2560xi32, #tpu.memory_space<hbm>>
      %dma_wait3A_199 = arith.constant 0 : i32
      %dma_wait3A_200 = tpu.memref_slice %arg13[%dma_wait3A_199] : memref<10240xi32, #tpu.memory_space<vmem>> -> memref<2560xi32, #tpu.memory_space<vmem>>
      %dma_wait3A_201 = tpu.memref_slice %arg7[%mul3A_152] : memref<81920xi32, #tpu.memory_space<hbm>> -> memref<2560xi32, #tpu.memory_space<hbm>>
      tpu.wait_dma2 semaphore(%run_scoped3A : memref<!tpu.dma_semaphore, #tpu.memory_space<semaphore_mem>>) src(%dma_wait3A_201 : memref<2560xi32, #tpu.memory_space<hbm>>) dst(%dma_wait3A_200 : memref<2560xi32, #tpu.memory_space<vmem>>)
      tpu.yield
    }) : () -> ()
    %dma_start3A_153 = arith.constant 0 : i32
    %dma_start3A_154 = arith.constant 0 : i32
    %dma_start3A_155 = tpu.memref_slice %arg14[%dma_start3A_153, %dma_start3A_154] : memref<1024x64xf32, #tpu.memory_space<vmem>> -> memref<512x64xf32, #tpu.memory_space<vmem>>
    %dma_start3A_156 = arith.constant 0 : i32
    %dma_start3A_157 = tpu.memref_slice %arg13[%dma_start3A_156] : memref<10240xi32, #tpu.memory_space<vmem>> -> memref<512xi32, #tpu.memory_space<vmem>>
    %dma_start3A_158 = arith.constant 0 : i32
    %dma_start3A_159 = arith.constant 0 : i32
    %dma_start3A_160 = tpu.memref_slice %arg2[%dma_start3A_158, %dma_start3A_159] : memref<1000000x64xf32, #tpu.memory_space<hbm>> -> memref<1000000x64xf32, #tpu.memory_space<hbm>>
    tpu.enqueue_indirect_dma source(%dma_start3A_160 : memref<1000000x64xf32, #tpu.memory_space<hbm>>) target(%dma_start3A_155 : memref<512x64xf32, #tpu.memory_space<vmem>>) offsets(%dma_start3A_157 : memref<512xi32, #tpu.memory_space<vmem>>) semaphore(%arg16 : memref<!tpu.dma_semaphore, #tpu.memory_space<semaphore_mem>>)
    %scan3A_161 = arith.constant 0 : i32
    %scan3A_162 = arith.constant 0 : i32
    %scan3A_163 = arith.constant 5 : i32
    %scan3A_164 = arith.addi %scan3A_162, %scan3A_163 : i32
    %scan3A_165 = arith.constant 1 : i32
    %scan3A_166 = scf.for %scan3A_190 = %scan3A_162 to %scan3A_164 step %scan3A_165 iter_args(%scan3A_191 = %scan3A_161) -> (i32)  : i32 {
      %rem3A_192 = arith.constant 2 : i32
      %rem3A_193 = arith.remsi %scan3A_190, %rem3A_192 : i32
      %sub3A_194 = arith.constant 1 : i32
      %sub3A_195 = arith.subi %sub3A_194, %rem3A_193 : i32
      %ge3A_196 = arith.constant 1 : i32
      %ge3A_197 = arith.cmpi sge, %scan3A_190, %ge3A_196 : i32
      %convert_element_type3A_198 = arith.extui %ge3A_197 : i1 to i32
      %cond3A_199 = arith.constant 0 : i32
      %cond3A_200 = arith.cmpi ne, %convert_element_type3A_198, %cond3A_199 : i32
      scf.if %cond3A_200 {
        %sub3A_232 = arith.constant 1 : i32
        %sub3A_233 = arith.subi %scan3A_190, %sub3A_232 : i32
        %mul3A_234 = arith.constant 512 : i32
        %mul3A_235 = arith.muli %sub3A_195, %mul3A_234 : i32
        %mul3A_236 = arith.constant 512 : i32
        %mul3A_237 = arith.muli %sub3A_233, %mul3A_236 : i32
        %add3A_238 = arith.addi %mul3A_152, %mul3A_237 : i32
        %dma_wait3A_239 = arith.constant 0 : i32
        %dma_wait3A_240 = tpu.memref_slice %arg14[%mul3A_235, %dma_wait3A_239] : memref<1024x64xf32, #tpu.memory_space<vmem>> -> memref<512x64xf32, #tpu.memory_space<vmem>>
        %dma_wait3A_241 = arith.constant 0 : i32
        %dma_wait3A_242 = tpu.memref_slice %arg11[%add3A_238, %dma_wait3A_241] : memref<81920x64xf32, #tpu.memory_space<hbm>> -> memref<512x64xf32, #tpu.memory_space<hbm>>
        %dma_wait3A_243 = arith.constant 0 : i32
        %dma_wait3A_244 = tpu.memref_slice %arg11[%add3A_238, %dma_wait3A_243] : memref<81920x64xf32, #tpu.memory_space<hbm>> -> memref<512x64xf32, #tpu.memory_space<hbm>>
        %dma_wait3A_245 = arith.constant 0 : i32
        %dma_wait3A_246 = tpu.memref_slice %arg14[%mul3A_235, %dma_wait3A_245] : memref<1024x64xf32, #tpu.memory_space<vmem>> -> memref<512x64xf32, #tpu.memory_space<vmem>>
        tpu.wait_dma2 semaphore(%arg17 : memref<!tpu.dma_semaphore, #tpu.memory_space<semaphore_mem>>) src(%dma_wait3A_246 : memref<512x64xf32, #tpu.memory_space<vmem>>) dst(%dma_wait3A_244 : memref<512x64xf32, #tpu.memory_space<hbm>>)
      } else {
      }
      %add3A_201 = arith.constant 1 : i32
      %add3A_202 = arith.addi %scan3A_190, %add3A_201 : i32
      %lt3A_203 = arith.constant 5 : i32
      %lt3A_204 = arith.cmpi slt, %add3A_202, %lt3A_203 : i32
      %convert_element_type3A_205 = arith.extui %lt3A_204 : i1 to i32
      %cond3A_206 = arith.constant 0 : i32
      %cond3A_207 = arith.cmpi ne, %convert_element_type3A_205, %cond3A_206 : i32
      scf.if %cond3A_207 {
        %add3A_232 = arith.constant 1 : i32
        %add3A_233 = arith.addi %scan3A_190, %add3A_232 : i32
        %mul3A_234 = arith.constant 512 : i32
        %mul3A_235 = arith.muli %add3A_233, %mul3A_234 : i32
        %mul3A_236 = arith.constant 512 : i32
        %mul3A_237 = arith.muli %sub3A_195, %mul3A_236 : i32
        %dma_start3A_238 = arith.constant 0 : i32
        %dma_start3A_239 = tpu.memref_slice %arg14[%mul3A_237, %dma_start3A_238] : memref<1024x64xf32, #tpu.memory_space<vmem>> -> memref<512x64xf32, #tpu.memory_space<vmem>>
        %dma_start3A_240 = tpu.memref_slice %arg13[%mul3A_235] : memref<10240xi32, #tpu.memory_space<vmem>> -> memref<512xi32, #tpu.memory_space<vmem>>
        %dma_start3A_241 = arith.constant 0 : i32
        %dma_start3A_242 = arith.constant 0 : i32
        %dma_start3A_243 = tpu.memref_slice %arg2[%dma_start3A_241, %dma_start3A_242] : memref<1000000x64xf32, #tpu.memory_space<hbm>> -> memref<1000000x64xf32, #tpu.memory_space<hbm>>
        tpu.enqueue_indirect_dma source(%dma_start3A_243 : memref<1000000x64xf32, #tpu.memory_space<hbm>>) target(%dma_start3A_239 : memref<512x64xf32, #tpu.memory_space<vmem>>) offsets(%dma_start3A_240 : memref<512xi32, #tpu.memory_space<vmem>>) semaphore(%arg16 : memref<!tpu.dma_semaphore, #tpu.memory_space<semaphore_mem>>)
      } else {
      }
      %mul3A_208 = arith.constant 512 : i32
      %mul3A_209 = arith.muli %scan3A_190, %mul3A_208 : i32
      %mul3A_210 = arith.constant 512 : i32
      %mul3A_211 = arith.muli %rem3A_193, %mul3A_210 : i32
      %dma_wait3A_212 = arith.constant 0 : i32
      %dma_wait3A_213 = tpu.memref_slice %arg14[%mul3A_211, %dma_wait3A_212] : memref<1024x64xf32, #tpu.memory_space<vmem>> -> memref<512x64xf32, #tpu.memory_space<vmem>>
      %dma_wait3A_214 = tpu.memref_slice %arg13[%mul3A_209] : memref<10240xi32, #tpu.memory_space<vmem>> -> memref<512xi32, #tpu.memory_space<vmem>>
      %dma_wait3A_215 = arith.constant 0 : i32
      %dma_wait3A_216 = arith.constant 0 : i32
      %dma_wait3A_217 = tpu.memref_slice %arg2[%dma_wait3A_215, %dma_wait3A_216] : memref<1000000x64xf32, #tpu.memory_space<hbm>> -> memref<1000000x64xf32, #tpu.memory_space<hbm>>
      tpu.wait_indirect_dma semaphore(%arg16 : memref<!tpu.dma_semaphore, #tpu.memory_space<semaphore_mem>>) src(%dma_wait3A_217 : memref<1000000x64xf32, #tpu.memory_space<hbm>>) dst(%dma_wait3A_213 : memref<512x64xf32, #tpu.memory_space<vmem>>)
      %mul3A_218 = arith.constant 512 : i32
      %mul3A_219 = arith.muli %rem3A_193, %mul3A_218 : i32
      %mul3A_220 = arith.constant 512 : i32
      %mul3A_221 = arith.muli %scan3A_190, %mul3A_220 : i32
      %add3A_222 = arith.addi %mul3A_152, %mul3A_221 : i32
      %dma_start3A_223 = arith.constant 0 : i32
      %dma_start3A_224 = tpu.memref_slice %arg14[%mul3A_219, %dma_start3A_223] : memref<1024x64xf32, #tpu.memory_space<vmem>> -> memref<512x64xf32, #tpu.memory_space<vmem>>
      %dma_start3A_225 = arith.constant 0 : i32
      %dma_start3A_226 = tpu.memref_slice %arg11[%add3A_222, %dma_start3A_225] : memref<81920x64xf32, #tpu.memory_space<hbm>> -> memref<512x64xf32, #tpu.memory_space<hbm>>
      %dma_start3A_227 = arith.constant 0 : i32
      %dma_start3A_228 = tpu.memref_slice %arg11[%add3A_222, %dma_start3A_227] : memref<81920x64xf32, #tpu.memory_space<hbm>> -> memref<512x64xf32, #tpu.memory_space<hbm>>
      %dma_start3A_229 = arith.constant 0 : i32
      %dma_start3A_230 = tpu.memref_slice %arg14[%mul3A_219, %dma_start3A_229] : memref<1024x64xf32, #tpu.memory_space<vmem>> -> memref<512x64xf32, #tpu.memory_space<vmem>>
      tpu.enqueue_dma source(%dma_start3A_230 : memref<512x64xf32, #tpu.memory_space<vmem>>) target(%dma_start3A_228 : memref<512x64xf32, #tpu.memory_space<hbm>>) target_semaphore(%arg17 : memref<!tpu.dma_semaphore, #tpu.memory_space<semaphore_mem>>)
      %scan3A_231 = arith.constant 0 : i32
      scf.yield %scan3A_231 : i32
    }
    %scan3A_167 = arith.constant 5 : i32
    %add3A_168 = arith.constant 2048 : i32
    %add3A_169 = arith.addi %mul3A_152, %add3A_168 : i32
    %dma_wait3A_170 = arith.constant 0 : i32
    %dma_wait3A_171 = arith.constant 0 : i32
    %dma_wait3A_172 = tpu.memref_slice %arg14[%dma_wait3A_170, %dma_wait3A_171] : memref<1024x64xf32, #tpu.memory_space<vmem>> -> memref<512x64xf32, #tpu.memory_space<vmem>>
    %dma_wait3A_173 = arith.constant 0 : i32
    %dma_wait3A_174 = tpu.memref_slice %arg11[%add3A_169, %dma_wait3A_173] : memref<81920x64xf32, #tpu.memory_space<hbm>> -> memref<512x64xf32, #tpu.memory_space<hbm>>
    %dma_wait3A_175 = arith.constant 0 : i32
    %dma_wait3A_176 = tpu.memref_slice %arg11[%add3A_169, %dma_wait3A_175] : memref<81920x64xf32, #tpu.memory_space<hbm>> -> memref<512x64xf32, #tpu.memory_space<hbm>>
    %dma_wait3A_177 = arith.constant 0 : i32
    %dma_wait3A_178 = arith.constant 0 : i32
    %dma_wait3A_179 = tpu.memref_slice %arg14[%dma_wait3A_177, %dma_wait3A_178] : memref<1024x64xf32, #tpu.memory_space<vmem>> -> memref<512x64xf32, #tpu.memory_space<vmem>>
    tpu.wait_dma2 semaphore(%arg17 : memref<!tpu.dma_semaphore, #tpu.memory_space<semaphore_mem>>) src(%dma_wait3A_179 : memref<512x64xf32, #tpu.memory_space<vmem>>) dst(%dma_wait3A_176 : memref<512x64xf32, #tpu.memory_space<hbm>>)
    %mul3A_180 = arith.constant 512 : i32
    %mul3A_181 = arith.muli %add3A, %mul3A_180 : i32
    "tpu.region"() ({
      %run_scoped3A = tpu.sem_alloc : memref<!tpu.dma_semaphore, #tpu.memory_space<semaphore_mem>>
      %dma_start3A_190 = arith.constant 0 : i32
      %dma_start3A_191 = tpu.memref_slice %arg13[%dma_start3A_190] : memref<10240xi32, #tpu.memory_space<vmem>> -> memref<512xi32, #tpu.memory_space<vmem>>
      %dma_start3A_192 = tpu.memref_slice %arg4[%mul3A_181] : memref<16384xi32, #tpu.memory_space<hbm>> -> memref<512xi32, #tpu.memory_space<hbm>>
      %dma_start3A_193 = arith.constant 0 : i32
      %dma_start3A_194 = tpu.memref_slice %arg13[%dma_start3A_193] : memref<10240xi32, #tpu.memory_space<vmem>> -> memref<512xi32, #tpu.memory_space<vmem>>
      %dma_start3A_195 = tpu.memref_slice %arg4[%mul3A_181] : memref<16384xi32, #tpu.memory_space<hbm>> -> memref<512xi32, #tpu.memory_space<hbm>>
      tpu.enqueue_dma source(%dma_start3A_195 : memref<512xi32, #tpu.memory_space<hbm>>) target(%dma_start3A_194 : memref<512xi32, #tpu.memory_space<vmem>>) target_semaphore(%run_scoped3A : memref<!tpu.dma_semaphore, #tpu.memory_space<semaphore_mem>>)
      %dma_wait3A_196 = arith.constant 0 : i32
      %dma_wait3A_197 = tpu.memref_slice %arg13[%dma_wait3A_196] : memref<10240xi32, #tpu.memory_space<vmem>> -> memref<512xi32, #tpu.memory_space<vmem>>
      %dma_wait3A_198 = tpu.memref_slice %arg4[%mul3A_181] : memref<16384xi32, #tpu.memory_space<hbm>> -> memref<512xi32, #tpu.memory_space<hbm>>
      %dma_wait3A_199 = arith.constant 0 : i32
      %dma_wait3A_200 = tpu.memref_slice %arg13[%dma_wait3A_199] : memref<10240xi32, #tpu.memory_space<vmem>> -> memref<512xi32, #tpu.memory_space<vmem>>
      %dma_wait3A_201 = tpu.memref_slice %arg4[%mul3A_181] : memref<16384xi32, #tpu.memory_space<hbm>> -> memref<512xi32, #tpu.memory_space<hbm>>
      tpu.wait_dma2 semaphore(%run_scoped3A : memref<!tpu.dma_semaphore, #tpu.memory_space<semaphore_mem>>) src(%dma_wait3A_201 : memref<512xi32, #tpu.memory_space<hbm>>) dst(%dma_wait3A_200 : memref<512xi32, #tpu.memory_space<vmem>>)
      tpu.yield
    }) : () -> ()
    %dma_start3A_182 = arith.constant 0 : i32
    %dma_start3A_183 = tpu.memref_slice %arg13[%dma_start3A_182] : memref<10240xi32, #tpu.memory_space<vmem>> -> memref<512xi32, #tpu.memory_space<vmem>>
    %dma_start3A_184 = arith.constant 0 : i32
    %dma_start3A_185 = tpu.memref_slice %arg3[%dma_start3A_184] : memref<1000000xf32, #tpu.memory_space<hbm>> -> memref<1000000xf32, #tpu.memory_space<hbm>>
    tpu.enqueue_indirect_dma source(%dma_start3A_185 : memref<1000000xf32, #tpu.memory_space<hbm>>) target(%arg15 : memref<512xf32, #tpu.memory_space<vmem>>) offsets(%dma_start3A_183 : memref<512xi32, #tpu.memory_space<vmem>>) semaphore(%arg16 : memref<!tpu.dma_semaphore, #tpu.memory_space<semaphore_mem>>)
    %dma_wait3A_186 = arith.constant 0 : i32
    %dma_wait3A_187 = tpu.memref_slice %arg13[%dma_wait3A_186] : memref<10240xi32, #tpu.memory_space<vmem>> -> memref<512xi32, #tpu.memory_space<vmem>>
    %dma_wait3A_188 = arith.constant 0 : i32
    %dma_wait3A_189 = tpu.memref_slice %arg3[%dma_wait3A_188] : memref<1000000xf32, #tpu.memory_space<hbm>> -> memref<1000000xf32, #tpu.memory_space<hbm>>
    tpu.wait_indirect_dma semaphore(%arg16 : memref<!tpu.dma_semaphore, #tpu.memory_space<semaphore_mem>>) src(%dma_wait3A_189 : memref<1000000xf32, #tpu.memory_space<hbm>>) dst(%arg15 : memref<512xf32, #tpu.memory_space<vmem>>)
    "tpu.region"() ({
      %run_scoped3A = tpu.sem_alloc : memref<!tpu.dma_semaphore, #tpu.memory_space<semaphore_mem>>
      %dma_start3A_190 = tpu.memref_slice %arg12[%mul3A_181] : memref<16384xf32, #tpu.memory_space<hbm>> -> memref<512xf32, #tpu.memory_space<hbm>>
      %dma_start3A_191 = tpu.memref_slice %arg12[%mul3A_181] : memref<16384xf32, #tpu.memory_space<hbm>> -> memref<512xf32, #tpu.memory_space<hbm>>
      tpu.enqueue_dma source(%arg15 : memref<512xf32, #tpu.memory_space<vmem>>) target(%dma_start3A_191 : memref<512xf32, #tpu.memory_space<hbm>>) target_semaphore(%run_scoped3A : memref<!tpu.dma_semaphore, #tpu.memory_space<semaphore_mem>>)
      %dma_wait3A_192 = tpu.memref_slice %arg12[%mul3A_181] : memref<16384xf32, #tpu.memory_space<hbm>> -> memref<512xf32, #tpu.memory_space<hbm>>
      %dma_wait3A_193 = tpu.memref_slice %arg12[%mul3A_181] : memref<16384xf32, #tpu.memory_space<hbm>> -> memref<512xf32, #tpu.memory_space<hbm>>
      tpu.wait_dma2 semaphore(%run_scoped3A : memref<!tpu.dma_semaphore, #tpu.memory_space<semaphore_mem>>) src(%arg15 : memref<512xf32, #tpu.memory_space<vmem>>) dst(%dma_wait3A_193 : memref<512xf32, #tpu.memory_space<hbm>>)
      tpu.yield
    }) : () -> ()
    return
  }
}

module attributes {stable_mosaic.version = 14 : i64} {
  func.func @_tc_body(%arg0: i32, %arg1: memref<512x64xf32, #tpu.memory_space<vmem>>, %arg2: memref<512x64xf32, #tpu.memory_space<vmem>>, %arg3: memref<20x512x64xf32, #tpu.memory_space<vmem>>, %arg4: memref<5x512x64xf32, #tpu.memory_space<vmem>>, %arg5: memref<512x1xf32, #tpu.memory_space<vmem>>, %arg6: memref<512x1xf32, #tpu.memory_space<vmem>>, %arg7: memref<512x20xf32, #tpu.memory_space<vmem>>, %arg8: memref<512x20xf32, #tpu.memory_space<vmem>>, %arg9: memref<512x1xf32, #tpu.memory_space<vmem>>) attributes {dimension_semantics = [#tpu.dimension_semantics<arbitrary>], iteration_bounds = array<i64: 32>, scalar_prefetch = 0 : i64, scratch_operands = 0 : i64, tpu.core_type = #tpu.core_type<tc>, window_params = [{transform_indices = @transform_0, window_bounds = array<i64: 512, 64>}, {transform_indices = @transform_1, window_bounds = array<i64: 512, 64>}, {transform_indices = @transform_2, window_bounds = array<i64: 20, 512, 64>}, {transform_indices = @transform_3, window_bounds = array<i64: 5, 512, 64>}, {transform_indices = @transform_4, window_bounds = array<i64: 512, 1>}, {transform_indices = @transform_5, window_bounds = array<i64: 512, 1>}, {transform_indices = @transform_6, window_bounds = array<i64: 512, 20>}, {transform_indices = @transform_7, window_bounds = array<i64: 512, 20>}, {transform_indices = @transform_8, window_bounds = array<i64: 512, 1>}]} {
    %get3A = arith.constant 0 : index
    %get3A_0 = arith.constant 0 : index
    %get3A_1 = vector.load %arg1[%get3A, %get3A_0] : memref<512x64xf32, #tpu.memory_space<vmem>>, vector<512x64xf32>
    %get3A_2 = arith.constant 0 : index
    %get3A_3 = arith.constant 0 : index
    %get3A_4 = vector.load %arg2[%get3A_2, %get3A_3] : memref<512x64xf32, #tpu.memory_space<vmem>>, vector<512x64xf32>
    %get3A_5 = arith.constant 0 : index
    %get3A_6 = arith.constant 0 : index
    %get3A_7 = vector.load %arg5[%get3A_5, %get3A_6] : memref<512x1xf32, #tpu.memory_space<vmem>>, vector<512x1xf32>
    %get3A_8 = arith.constant 0 : index
    %get3A_9 = arith.constant 0 : index
    %get3A_10 = vector.load %arg6[%get3A_8, %get3A_9] : memref<512x1xf32, #tpu.memory_space<vmem>>, vector<512x1xf32>
    %get3A_11 = arith.constant 0 : index
    %get3A_12 = arith.constant 0 : index
    %get3A_13 = vector.load %arg7[%get3A_11, %get3A_12] : memref<512x20xf32, #tpu.memory_space<vmem>>, vector<512x20xf32>
    %get3A_14 = arith.constant 0 : index
    %get3A_15 = arith.constant 0 : index
    %get3A_16 = vector.load %arg8[%get3A_14, %get3A_15] : memref<512x20xf32, #tpu.memory_space<vmem>>, vector<512x20xf32>
    %sub3A = vector.broadcast %get3A_10 : vector<512x1xf32> to vector<512x20xf32>
    %sub3A_17 = arith.subf %sub3A, %get3A_13 : vector<512x20xf32>
    %abs3A = math.absf %sub3A_17 : vector<512x20xf32>
    %mul3A = arith.mulf %get3A_1, %get3A_1 : vector<512x64xf32>
    %reduce_sum3A = arith.constant dense<0.000000e+00> : vector<512xf32>
    %reduce_sum3A_18 = vector.multi_reduction <add>, %mul3A, %reduce_sum3A [1] : vector<512x64xf32> to vector<512xf32>
    %broadcast_in_dim3A = vector.shape_cast %reduce_sum3A_18 : vector<512xf32> to vector<512x1xf32>
    %sub3A_19 = arith.subf %get3A_1, %get3A_4 : vector<512x64xf32>
    %mul3A_20 = arith.mulf %sub3A_19, %sub3A_19 : vector<512x64xf32>
    %reduce_sum3A_21 = arith.constant dense<0.000000e+00> : vector<512xf32>
    %reduce_sum3A_22 = vector.multi_reduction <add>, %mul3A_20, %reduce_sum3A_21 [1] : vector<512x64xf32> to vector<512xf32>
    %broadcast_in_dim3A_23 = vector.shape_cast %reduce_sum3A_22 : vector<512xf32> to vector<512x1xf32>
    %neg3A = arith.constant 0.000000e+00 : f32
    %neg3A_24 = vector.broadcast %neg3A : f32 to vector<512x1xf32>
    %neg3A_25 = arith.subf %neg3A_24, %broadcast_in_dim3A_23 : vector<512x1xf32>
    %get3A_26 = arith.constant 0 : index
    %get3A_27 = arith.constant 0 : index
    %get3A_28 = arith.constant 0 : index
    %get3A_29 = vector.load %arg3[%get3A_26, %get3A_27, %get3A_28] : memref<20x512x64xf32, #tpu.memory_space<vmem>>, vector<1x512x64xf32>
    %get3A_30 = vector.shape_cast %get3A_29 : vector<1x512x64xf32> to vector<512x64xf32>
    %mul3A_31 = arith.mulf %get3A_30, %get3A_30 : vector<512x64xf32>
    %reduce_sum3A_32 = arith.constant dense<0.000000e+00> : vector<512xf32>
    %reduce_sum3A_33 = vector.multi_reduction <add>, %mul3A_31, %reduce_sum3A_32 [1] : vector<512x64xf32> to vector<512xf32>
    %broadcast_in_dim3A_34 = vector.shape_cast %reduce_sum3A_33 : vector<512xf32> to vector<512x1xf32>
    %mul3A_35 = arith.mulf %get3A_1, %get3A_30 : vector<512x64xf32>
    %reduce_sum3A_36 = arith.constant dense<0.000000e+00> : vector<512xf32>
    %reduce_sum3A_37 = vector.multi_reduction <add>, %mul3A_35, %reduce_sum3A_36 [1] : vector<512x64xf32> to vector<512xf32>
    %broadcast_in_dim3A_38 = vector.shape_cast %reduce_sum3A_37 : vector<512xf32> to vector<512x1xf32>
    %mul3A_39 = arith.constant 2.000000e+00 : f32
    %mul3A_40 = vector.broadcast %mul3A_39 : f32 to vector<512x1xf32>
    %mul3A_41 = arith.mulf %mul3A_40, %broadcast_in_dim3A_38 : vector<512x1xf32>
    %sub3A_42 = arith.subf %mul3A_41, %broadcast_in_dim3A : vector<512x1xf32>
    %sub3A_43 = arith.subf %sub3A_42, %broadcast_in_dim3A_34 : vector<512x1xf32>
    %get3A_44 = arith.constant 1 : index
    %get3A_45 = arith.constant 0 : index
    %get3A_46 = arith.constant 0 : index
    %get3A_47 = vector.load %arg3[%get3A_44, %get3A_45, %get3A_46] : memref<20x512x64xf32, #tpu.memory_space<vmem>>, vector<1x512x64xf32>
    %get3A_48 = vector.shape_cast %get3A_47 : vector<1x512x64xf32> to vector<512x64xf32>
    %mul3A_49 = arith.mulf %get3A_48, %get3A_48 : vector<512x64xf32>
    %reduce_sum3A_50 = arith.constant dense<0.000000e+00> : vector<512xf32>
    %reduce_sum3A_51 = vector.multi_reduction <add>, %mul3A_49, %reduce_sum3A_50 [1] : vector<512x64xf32> to vector<512xf32>
    %broadcast_in_dim3A_52 = vector.shape_cast %reduce_sum3A_51 : vector<512xf32> to vector<512x1xf32>
    %mul3A_53 = arith.mulf %get3A_1, %get3A_48 : vector<512x64xf32>
    %reduce_sum3A_54 = arith.constant dense<0.000000e+00> : vector<512xf32>
    %reduce_sum3A_55 = vector.multi_reduction <add>, %mul3A_53, %reduce_sum3A_54 [1] : vector<512x64xf32> to vector<512xf32>
    %broadcast_in_dim3A_56 = vector.shape_cast %reduce_sum3A_55 : vector<512xf32> to vector<512x1xf32>
    %mul3A_57 = arith.constant 2.000000e+00 : f32
    %mul3A_58 = vector.broadcast %mul3A_57 : f32 to vector<512x1xf32>
    %mul3A_59 = arith.mulf %mul3A_58, %broadcast_in_dim3A_56 : vector<512x1xf32>
    %sub3A_60 = arith.subf %mul3A_59, %broadcast_in_dim3A : vector<512x1xf32>
    %sub3A_61 = arith.subf %sub3A_60, %broadcast_in_dim3A_52 : vector<512x1xf32>
    %get3A_62 = arith.constant 2 : index
    %get3A_63 = arith.constant 0 : index
    %get3A_64 = arith.constant 0 : index
    %get3A_65 = vector.load %arg3[%get3A_62, %get3A_63, %get3A_64] : memref<20x512x64xf32, #tpu.memory_space<vmem>>, vector<1x512x64xf32>
    %get3A_66 = vector.shape_cast %get3A_65 : vector<1x512x64xf32> to vector<512x64xf32>
    %mul3A_67 = arith.mulf %get3A_66, %get3A_66 : vector<512x64xf32>
    %reduce_sum3A_68 = arith.constant dense<0.000000e+00> : vector<512xf32>
    %reduce_sum3A_69 = vector.multi_reduction <add>, %mul3A_67, %reduce_sum3A_68 [1] : vector<512x64xf32> to vector<512xf32>
    %broadcast_in_dim3A_70 = vector.shape_cast %reduce_sum3A_69 : vector<512xf32> to vector<512x1xf32>
    %mul3A_71 = arith.mulf %get3A_1, %get3A_66 : vector<512x64xf32>
    %reduce_sum3A_72 = arith.constant dense<0.000000e+00> : vector<512xf32>
    %reduce_sum3A_73 = vector.multi_reduction <add>, %mul3A_71, %reduce_sum3A_72 [1] : vector<512x64xf32> to vector<512xf32>
    %broadcast_in_dim3A_74 = vector.shape_cast %reduce_sum3A_73 : vector<512xf32> to vector<512x1xf32>
    %mul3A_75 = arith.constant 2.000000e+00 : f32
    %mul3A_76 = vector.broadcast %mul3A_75 : f32 to vector<512x1xf32>
    %mul3A_77 = arith.mulf %mul3A_76, %broadcast_in_dim3A_74 : vector<512x1xf32>
    %sub3A_78 = arith.subf %mul3A_77, %broadcast_in_dim3A : vector<512x1xf32>
    %sub3A_79 = arith.subf %sub3A_78, %broadcast_in_dim3A_70 : vector<512x1xf32>
    %get3A_80 = arith.constant 3 : index
    %get3A_81 = arith.constant 0 : index
    %get3A_82 = arith.constant 0 : index
    %get3A_83 = vector.load %arg3[%get3A_80, %get3A_81, %get3A_82] : memref<20x512x64xf32, #tpu.memory_space<vmem>>, vector<1x512x64xf32>
    %get3A_84 = vector.shape_cast %get3A_83 : vector<1x512x64xf32> to vector<512x64xf32>
    %mul3A_85 = arith.mulf %get3A_84, %get3A_84 : vector<512x64xf32>
    %reduce_sum3A_86 = arith.constant dense<0.000000e+00> : vector<512xf32>
    %reduce_sum3A_87 = vector.multi_reduction <add>, %mul3A_85, %reduce_sum3A_86 [1] : vector<512x64xf32> to vector<512xf32>
    %broadcast_in_dim3A_88 = vector.shape_cast %reduce_sum3A_87 : vector<512xf32> to vector<512x1xf32>
    %mul3A_89 = arith.mulf %get3A_1, %get3A_84 : vector<512x64xf32>
    %reduce_sum3A_90 = arith.constant dense<0.000000e+00> : vector<512xf32>
    %reduce_sum3A_91 = vector.multi_reduction <add>, %mul3A_89, %reduce_sum3A_90 [1] : vector<512x64xf32> to vector<512xf32>
    %broadcast_in_dim3A_92 = vector.shape_cast %reduce_sum3A_91 : vector<512xf32> to vector<512x1xf32>
    %mul3A_93 = arith.constant 2.000000e+00 : f32
    %mul3A_94 = vector.broadcast %mul3A_93 : f32 to vector<512x1xf32>
    %mul3A_95 = arith.mulf %mul3A_94, %broadcast_in_dim3A_92 : vector<512x1xf32>
    %sub3A_96 = arith.subf %mul3A_95, %broadcast_in_dim3A : vector<512x1xf32>
    %sub3A_97 = arith.subf %sub3A_96, %broadcast_in_dim3A_88 : vector<512x1xf32>
    %get3A_98 = arith.constant 4 : index
    %get3A_99 = arith.constant 0 : index
    %get3A_100 = arith.constant 0 : index
    %get3A_101 = vector.load %arg3[%get3A_98, %get3A_99, %get3A_100] : memref<20x512x64xf32, #tpu.memory_space<vmem>>, vector<1x512x64xf32>
    %get3A_102 = vector.shape_cast %get3A_101 : vector<1x512x64xf32> to vector<512x64xf32>
    %mul3A_103 = arith.mulf %get3A_102, %get3A_102 : vector<512x64xf32>
    %reduce_sum3A_104 = arith.constant dense<0.000000e+00> : vector<512xf32>
    %reduce_sum3A_105 = vector.multi_reduction <add>, %mul3A_103, %reduce_sum3A_104 [1] : vector<512x64xf32> to vector<512xf32>
    %broadcast_in_dim3A_106 = vector.shape_cast %reduce_sum3A_105 : vector<512xf32> to vector<512x1xf32>
    %mul3A_107 = arith.mulf %get3A_1, %get3A_102 : vector<512x64xf32>
    %reduce_sum3A_108 = arith.constant dense<0.000000e+00> : vector<512xf32>
    %reduce_sum3A_109 = vector.multi_reduction <add>, %mul3A_107, %reduce_sum3A_108 [1] : vector<512x64xf32> to vector<512xf32>
    %broadcast_in_dim3A_110 = vector.shape_cast %reduce_sum3A_109 : vector<512xf32> to vector<512x1xf32>
    %mul3A_111 = arith.constant 2.000000e+00 : f32
    %mul3A_112 = vector.broadcast %mul3A_111 : f32 to vector<512x1xf32>
    %mul3A_113 = arith.mulf %mul3A_112, %broadcast_in_dim3A_110 : vector<512x1xf32>
    %sub3A_114 = arith.subf %mul3A_113, %broadcast_in_dim3A : vector<512x1xf32>
    %sub3A_115 = arith.subf %sub3A_114, %broadcast_in_dim3A_106 : vector<512x1xf32>
    %get3A_116 = arith.constant 5 : index
    %get3A_117 = arith.constant 0 : index
    %get3A_118 = arith.constant 0 : index
    %get3A_119 = vector.load %arg3[%get3A_116, %get3A_117, %get3A_118] : memref<20x512x64xf32, #tpu.memory_space<vmem>>, vector<1x512x64xf32>
    %get3A_120 = vector.shape_cast %get3A_119 : vector<1x512x64xf32> to vector<512x64xf32>
    %mul3A_121 = arith.mulf %get3A_120, %get3A_120 : vector<512x64xf32>
    %reduce_sum3A_122 = arith.constant dense<0.000000e+00> : vector<512xf32>
    %reduce_sum3A_123 = vector.multi_reduction <add>, %mul3A_121, %reduce_sum3A_122 [1] : vector<512x64xf32> to vector<512xf32>
    %broadcast_in_dim3A_124 = vector.shape_cast %reduce_sum3A_123 : vector<512xf32> to vector<512x1xf32>
    %mul3A_125 = arith.mulf %get3A_1, %get3A_120 : vector<512x64xf32>
    %reduce_sum3A_126 = arith.constant dense<0.000000e+00> : vector<512xf32>
    %reduce_sum3A_127 = vector.multi_reduction <add>, %mul3A_125, %reduce_sum3A_126 [1] : vector<512x64xf32> to vector<512xf32>
    %broadcast_in_dim3A_128 = vector.shape_cast %reduce_sum3A_127 : vector<512xf32> to vector<512x1xf32>
    %mul3A_129 = arith.constant 2.000000e+00 : f32
    %mul3A_130 = vector.broadcast %mul3A_129 : f32 to vector<512x1xf32>
    %mul3A_131 = arith.mulf %mul3A_130, %broadcast_in_dim3A_128 : vector<512x1xf32>
    %sub3A_132 = arith.subf %mul3A_131, %broadcast_in_dim3A : vector<512x1xf32>
    %sub3A_133 = arith.subf %sub3A_132, %broadcast_in_dim3A_124 : vector<512x1xf32>
    %get3A_134 = arith.constant 6 : index
    %get3A_135 = arith.constant 0 : index
    %get3A_136 = arith.constant 0 : index
    %get3A_137 = vector.load %arg3[%get3A_134, %get3A_135, %get3A_136] : memref<20x512x64xf32, #tpu.memory_space<vmem>>, vector<1x512x64xf32>
    %get3A_138 = vector.shape_cast %get3A_137 : vector<1x512x64xf32> to vector<512x64xf32>
    %mul3A_139 = arith.mulf %get3A_138, %get3A_138 : vector<512x64xf32>
    %reduce_sum3A_140 = arith.constant dense<0.000000e+00> : vector<512xf32>
    %reduce_sum3A_141 = vector.multi_reduction <add>, %mul3A_139, %reduce_sum3A_140 [1] : vector<512x64xf32> to vector<512xf32>
    %broadcast_in_dim3A_142 = vector.shape_cast %reduce_sum3A_141 : vector<512xf32> to vector<512x1xf32>
    %mul3A_143 = arith.mulf %get3A_1, %get3A_138 : vector<512x64xf32>
    %reduce_sum3A_144 = arith.constant dense<0.000000e+00> : vector<512xf32>
    %reduce_sum3A_145 = vector.multi_reduction <add>, %mul3A_143, %reduce_sum3A_144 [1] : vector<512x64xf32> to vector<512xf32>
    %broadcast_in_dim3A_146 = vector.shape_cast %reduce_sum3A_145 : vector<512xf32> to vector<512x1xf32>
    %mul3A_147 = arith.constant 2.000000e+00 : f32
    %mul3A_148 = vector.broadcast %mul3A_147 : f32 to vector<512x1xf32>
    %mul3A_149 = arith.mulf %mul3A_148, %broadcast_in_dim3A_146 : vector<512x1xf32>
    %sub3A_150 = arith.subf %mul3A_149, %broadcast_in_dim3A : vector<512x1xf32>
    %sub3A_151 = arith.subf %sub3A_150, %broadcast_in_dim3A_142 : vector<512x1xf32>
    %get3A_152 = arith.constant 7 : index
    %get3A_153 = arith.constant 0 : index
    %get3A_154 = arith.constant 0 : index
    %get3A_155 = vector.load %arg3[%get3A_152, %get3A_153, %get3A_154] : memref<20x512x64xf32, #tpu.memory_space<vmem>>, vector<1x512x64xf32>
    %get3A_156 = vector.shape_cast %get3A_155 : vector<1x512x64xf32> to vector<512x64xf32>
    %mul3A_157 = arith.mulf %get3A_156, %get3A_156 : vector<512x64xf32>
    %reduce_sum3A_158 = arith.constant dense<0.000000e+00> : vector<512xf32>
    %reduce_sum3A_159 = vector.multi_reduction <add>, %mul3A_157, %reduce_sum3A_158 [1] : vector<512x64xf32> to vector<512xf32>
    %broadcast_in_dim3A_160 = vector.shape_cast %reduce_sum3A_159 : vector<512xf32> to vector<512x1xf32>
    %mul3A_161 = arith.mulf %get3A_1, %get3A_156 : vector<512x64xf32>
    %reduce_sum3A_162 = arith.constant dense<0.000000e+00> : vector<512xf32>
    %reduce_sum3A_163 = vector.multi_reduction <add>, %mul3A_161, %reduce_sum3A_162 [1] : vector<512x64xf32> to vector<512xf32>
    %broadcast_in_dim3A_164 = vector.shape_cast %reduce_sum3A_163 : vector<512xf32> to vector<512x1xf32>
    %mul3A_165 = arith.constant 2.000000e+00 : f32
    %mul3A_166 = vector.broadcast %mul3A_165 : f32 to vector<512x1xf32>
    %mul3A_167 = arith.mulf %mul3A_166, %broadcast_in_dim3A_164 : vector<512x1xf32>
    %sub3A_168 = arith.subf %mul3A_167, %broadcast_in_dim3A : vector<512x1xf32>
    %sub3A_169 = arith.subf %sub3A_168, %broadcast_in_dim3A_160 : vector<512x1xf32>
    %get3A_170 = arith.constant 8 : index
    %get3A_171 = arith.constant 0 : index
    %get3A_172 = arith.constant 0 : index
    %get3A_173 = vector.load %arg3[%get3A_170, %get3A_171, %get3A_172] : memref<20x512x64xf32, #tpu.memory_space<vmem>>, vector<1x512x64xf32>
    %get3A_174 = vector.shape_cast %get3A_173 : vector<1x512x64xf32> to vector<512x64xf32>
    %mul3A_175 = arith.mulf %get3A_174, %get3A_174 : vector<512x64xf32>
    %reduce_sum3A_176 = arith.constant dense<0.000000e+00> : vector<512xf32>
    %reduce_sum3A_177 = vector.multi_reduction <add>, %mul3A_175, %reduce_sum3A_176 [1] : vector<512x64xf32> to vector<512xf32>
    %broadcast_in_dim3A_178 = vector.shape_cast %reduce_sum3A_177 : vector<512xf32> to vector<512x1xf32>
    %mul3A_179 = arith.mulf %get3A_1, %get3A_174 : vector<512x64xf32>
    %reduce_sum3A_180 = arith.constant dense<0.000000e+00> : vector<512xf32>
    %reduce_sum3A_181 = vector.multi_reduction <add>, %mul3A_179, %reduce_sum3A_180 [1] : vector<512x64xf32> to vector<512xf32>
    %broadcast_in_dim3A_182 = vector.shape_cast %reduce_sum3A_181 : vector<512xf32> to vector<512x1xf32>
    %mul3A_183 = arith.constant 2.000000e+00 : f32
    %mul3A_184 = vector.broadcast %mul3A_183 : f32 to vector<512x1xf32>
    %mul3A_185 = arith.mulf %mul3A_184, %broadcast_in_dim3A_182 : vector<512x1xf32>
    %sub3A_186 = arith.subf %mul3A_185, %broadcast_in_dim3A : vector<512x1xf32>
    %sub3A_187 = arith.subf %sub3A_186, %broadcast_in_dim3A_178 : vector<512x1xf32>
    %get3A_188 = arith.constant 9 : index
    %get3A_189 = arith.constant 0 : index
    %get3A_190 = arith.constant 0 : index
    %get3A_191 = vector.load %arg3[%get3A_188, %get3A_189, %get3A_190] : memref<20x512x64xf32, #tpu.memory_space<vmem>>, vector<1x512x64xf32>
    %get3A_192 = vector.shape_cast %get3A_191 : vector<1x512x64xf32> to vector<512x64xf32>
    %mul3A_193 = arith.mulf %get3A_192, %get3A_192 : vector<512x64xf32>
    %reduce_sum3A_194 = arith.constant dense<0.000000e+00> : vector<512xf32>
    %reduce_sum3A_195 = vector.multi_reduction <add>, %mul3A_193, %reduce_sum3A_194 [1] : vector<512x64xf32> to vector<512xf32>
    %broadcast_in_dim3A_196 = vector.shape_cast %reduce_sum3A_195 : vector<512xf32> to vector<512x1xf32>
    %mul3A_197 = arith.mulf %get3A_1, %get3A_192 : vector<512x64xf32>
    %reduce_sum3A_198 = arith.constant dense<0.000000e+00> : vector<512xf32>
    %reduce_sum3A_199 = vector.multi_reduction <add>, %mul3A_197, %reduce_sum3A_198 [1] : vector<512x64xf32> to vector<512xf32>
    %broadcast_in_dim3A_200 = vector.shape_cast %reduce_sum3A_199 : vector<512xf32> to vector<512x1xf32>
    %mul3A_201 = arith.constant 2.000000e+00 : f32
    %mul3A_202 = vector.broadcast %mul3A_201 : f32 to vector<512x1xf32>
    %mul3A_203 = arith.mulf %mul3A_202, %broadcast_in_dim3A_200 : vector<512x1xf32>
    %sub3A_204 = arith.subf %mul3A_203, %broadcast_in_dim3A : vector<512x1xf32>
    %sub3A_205 = arith.subf %sub3A_204, %broadcast_in_dim3A_196 : vector<512x1xf32>
    %get3A_206 = arith.constant 10 : index
    %get3A_207 = arith.constant 0 : index
    %get3A_208 = arith.constant 0 : index
    %get3A_209 = vector.load %arg3[%get3A_206, %get3A_207, %get3A_208] : memref<20x512x64xf32, #tpu.memory_space<vmem>>, vector<1x512x64xf32>
    %get3A_210 = vector.shape_cast %get3A_209 : vector<1x512x64xf32> to vector<512x64xf32>
    %mul3A_211 = arith.mulf %get3A_210, %get3A_210 : vector<512x64xf32>
    %reduce_sum3A_212 = arith.constant dense<0.000000e+00> : vector<512xf32>
    %reduce_sum3A_213 = vector.multi_reduction <add>, %mul3A_211, %reduce_sum3A_212 [1] : vector<512x64xf32> to vector<512xf32>
    %broadcast_in_dim3A_214 = vector.shape_cast %reduce_sum3A_213 : vector<512xf32> to vector<512x1xf32>
    %mul3A_215 = arith.mulf %get3A_1, %get3A_210 : vector<512x64xf32>
    %reduce_sum3A_216 = arith.constant dense<0.000000e+00> : vector<512xf32>
    %reduce_sum3A_217 = vector.multi_reduction <add>, %mul3A_215, %reduce_sum3A_216 [1] : vector<512x64xf32> to vector<512xf32>
    %broadcast_in_dim3A_218 = vector.shape_cast %reduce_sum3A_217 : vector<512xf32> to vector<512x1xf32>
    %mul3A_219 = arith.constant 2.000000e+00 : f32
    %mul3A_220 = vector.broadcast %mul3A_219 : f32 to vector<512x1xf32>
    %mul3A_221 = arith.mulf %mul3A_220, %broadcast_in_dim3A_218 : vector<512x1xf32>
    %sub3A_222 = arith.subf %mul3A_221, %broadcast_in_dim3A : vector<512x1xf32>
    %sub3A_223 = arith.subf %sub3A_222, %broadcast_in_dim3A_214 : vector<512x1xf32>
    %get3A_224 = arith.constant 11 : index
    %get3A_225 = arith.constant 0 : index
    %get3A_226 = arith.constant 0 : index
    %get3A_227 = vector.load %arg3[%get3A_224, %get3A_225, %get3A_226] : memref<20x512x64xf32, #tpu.memory_space<vmem>>, vector<1x512x64xf32>
    %get3A_228 = vector.shape_cast %get3A_227 : vector<1x512x64xf32> to vector<512x64xf32>
    %mul3A_229 = arith.mulf %get3A_228, %get3A_228 : vector<512x64xf32>
    %reduce_sum3A_230 = arith.constant dense<0.000000e+00> : vector<512xf32>
    %reduce_sum3A_231 = vector.multi_reduction <add>, %mul3A_229, %reduce_sum3A_230 [1] : vector<512x64xf32> to vector<512xf32>
    %broadcast_in_dim3A_232 = vector.shape_cast %reduce_sum3A_231 : vector<512xf32> to vector<512x1xf32>
    %mul3A_233 = arith.mulf %get3A_1, %get3A_228 : vector<512x64xf32>
    %reduce_sum3A_234 = arith.constant dense<0.000000e+00> : vector<512xf32>
    %reduce_sum3A_235 = vector.multi_reduction <add>, %mul3A_233, %reduce_sum3A_234 [1] : vector<512x64xf32> to vector<512xf32>
    %broadcast_in_dim3A_236 = vector.shape_cast %reduce_sum3A_235 : vector<512xf32> to vector<512x1xf32>
    %mul3A_237 = arith.constant 2.000000e+00 : f32
    %mul3A_238 = vector.broadcast %mul3A_237 : f32 to vector<512x1xf32>
    %mul3A_239 = arith.mulf %mul3A_238, %broadcast_in_dim3A_236 : vector<512x1xf32>
    %sub3A_240 = arith.subf %mul3A_239, %broadcast_in_dim3A : vector<512x1xf32>
    %sub3A_241 = arith.subf %sub3A_240, %broadcast_in_dim3A_232 : vector<512x1xf32>
    %get3A_242 = arith.constant 12 : index
    %get3A_243 = arith.constant 0 : index
    %get3A_244 = arith.constant 0 : index
    %get3A_245 = vector.load %arg3[%get3A_242, %get3A_243, %get3A_244] : memref<20x512x64xf32, #tpu.memory_space<vmem>>, vector<1x512x64xf32>
    %get3A_246 = vector.shape_cast %get3A_245 : vector<1x512x64xf32> to vector<512x64xf32>
    %mul3A_247 = arith.mulf %get3A_246, %get3A_246 : vector<512x64xf32>
    %reduce_sum3A_248 = arith.constant dense<0.000000e+00> : vector<512xf32>
    %reduce_sum3A_249 = vector.multi_reduction <add>, %mul3A_247, %reduce_sum3A_248 [1] : vector<512x64xf32> to vector<512xf32>
    %broadcast_in_dim3A_250 = vector.shape_cast %reduce_sum3A_249 : vector<512xf32> to vector<512x1xf32>
    %mul3A_251 = arith.mulf %get3A_1, %get3A_246 : vector<512x64xf32>
    %reduce_sum3A_252 = arith.constant dense<0.000000e+00> : vector<512xf32>
    %reduce_sum3A_253 = vector.multi_reduction <add>, %mul3A_251, %reduce_sum3A_252 [1] : vector<512x64xf32> to vector<512xf32>
    %broadcast_in_dim3A_254 = vector.shape_cast %reduce_sum3A_253 : vector<512xf32> to vector<512x1xf32>
    %mul3A_255 = arith.constant 2.000000e+00 : f32
    %mul3A_256 = vector.broadcast %mul3A_255 : f32 to vector<512x1xf32>
    %mul3A_257 = arith.mulf %mul3A_256, %broadcast_in_dim3A_254 : vector<512x1xf32>
    %sub3A_258 = arith.subf %mul3A_257, %broadcast_in_dim3A : vector<512x1xf32>
    %sub3A_259 = arith.subf %sub3A_258, %broadcast_in_dim3A_250 : vector<512x1xf32>
    %get3A_260 = arith.constant 13 : index
    %get3A_261 = arith.constant 0 : index
    %get3A_262 = arith.constant 0 : index
    %get3A_263 = vector.load %arg3[%get3A_260, %get3A_261, %get3A_262] : memref<20x512x64xf32, #tpu.memory_space<vmem>>, vector<1x512x64xf32>
    %get3A_264 = vector.shape_cast %get3A_263 : vector<1x512x64xf32> to vector<512x64xf32>
    %mul3A_265 = arith.mulf %get3A_264, %get3A_264 : vector<512x64xf32>
    %reduce_sum3A_266 = arith.constant dense<0.000000e+00> : vector<512xf32>
    %reduce_sum3A_267 = vector.multi_reduction <add>, %mul3A_265, %reduce_sum3A_266 [1] : vector<512x64xf32> to vector<512xf32>
    %broadcast_in_dim3A_268 = vector.shape_cast %reduce_sum3A_267 : vector<512xf32> to vector<512x1xf32>
    %mul3A_269 = arith.mulf %get3A_1, %get3A_264 : vector<512x64xf32>
    %reduce_sum3A_270 = arith.constant dense<0.000000e+00> : vector<512xf32>
    %reduce_sum3A_271 = vector.multi_reduction <add>, %mul3A_269, %reduce_sum3A_270 [1] : vector<512x64xf32> to vector<512xf32>
    %broadcast_in_dim3A_272 = vector.shape_cast %reduce_sum3A_271 : vector<512xf32> to vector<512x1xf32>
    %mul3A_273 = arith.constant 2.000000e+00 : f32
    %mul3A_274 = vector.broadcast %mul3A_273 : f32 to vector<512x1xf32>
    %mul3A_275 = arith.mulf %mul3A_274, %broadcast_in_dim3A_272 : vector<512x1xf32>
    %sub3A_276 = arith.subf %mul3A_275, %broadcast_in_dim3A : vector<512x1xf32>
    %sub3A_277 = arith.subf %sub3A_276, %broadcast_in_dim3A_268 : vector<512x1xf32>
    %get3A_278 = arith.constant 14 : index
    %get3A_279 = arith.constant 0 : index
    %get3A_280 = arith.constant 0 : index
    %get3A_281 = vector.load %arg3[%get3A_278, %get3A_279, %get3A_280] : memref<20x512x64xf32, #tpu.memory_space<vmem>>, vector<1x512x64xf32>
    %get3A_282 = vector.shape_cast %get3A_281 : vector<1x512x64xf32> to vector<512x64xf32>
    %mul3A_283 = arith.mulf %get3A_282, %get3A_282 : vector<512x64xf32>
    %reduce_sum3A_284 = arith.constant dense<0.000000e+00> : vector<512xf32>
    %reduce_sum3A_285 = vector.multi_reduction <add>, %mul3A_283, %reduce_sum3A_284 [1] : vector<512x64xf32> to vector<512xf32>
    %broadcast_in_dim3A_286 = vector.shape_cast %reduce_sum3A_285 : vector<512xf32> to vector<512x1xf32>
    %mul3A_287 = arith.mulf %get3A_1, %get3A_282 : vector<512x64xf32>
    %reduce_sum3A_288 = arith.constant dense<0.000000e+00> : vector<512xf32>
    %reduce_sum3A_289 = vector.multi_reduction <add>, %mul3A_287, %reduce_sum3A_288 [1] : vector<512x64xf32> to vector<512xf32>
    %broadcast_in_dim3A_290 = vector.shape_cast %reduce_sum3A_289 : vector<512xf32> to vector<512x1xf32>
    %mul3A_291 = arith.constant 2.000000e+00 : f32
    %mul3A_292 = vector.broadcast %mul3A_291 : f32 to vector<512x1xf32>
    %mul3A_293 = arith.mulf %mul3A_292, %broadcast_in_dim3A_290 : vector<512x1xf32>
    %sub3A_294 = arith.subf %mul3A_293, %broadcast_in_dim3A : vector<512x1xf32>
    %sub3A_295 = arith.subf %sub3A_294, %broadcast_in_dim3A_286 : vector<512x1xf32>
    %get3A_296 = arith.constant 15 : index
    %get3A_297 = arith.constant 0 : index
    %get3A_298 = arith.constant 0 : index
    %get3A_299 = vector.load %arg3[%get3A_296, %get3A_297, %get3A_298] : memref<20x512x64xf32, #tpu.memory_space<vmem>>, vector<1x512x64xf32>
    %get3A_300 = vector.shape_cast %get3A_299 : vector<1x512x64xf32> to vector<512x64xf32>
    %mul3A_301 = arith.mulf %get3A_300, %get3A_300 : vector<512x64xf32>
    %reduce_sum3A_302 = arith.constant dense<0.000000e+00> : vector<512xf32>
    %reduce_sum3A_303 = vector.multi_reduction <add>, %mul3A_301, %reduce_sum3A_302 [1] : vector<512x64xf32> to vector<512xf32>
    %broadcast_in_dim3A_304 = vector.shape_cast %reduce_sum3A_303 : vector<512xf32> to vector<512x1xf32>
    %mul3A_305 = arith.mulf %get3A_1, %get3A_300 : vector<512x64xf32>
    %reduce_sum3A_306 = arith.constant dense<0.000000e+00> : vector<512xf32>
    %reduce_sum3A_307 = vector.multi_reduction <add>, %mul3A_305, %reduce_sum3A_306 [1] : vector<512x64xf32> to vector<512xf32>
    %broadcast_in_dim3A_308 = vector.shape_cast %reduce_sum3A_307 : vector<512xf32> to vector<512x1xf32>
    %mul3A_309 = arith.constant 2.000000e+00 : f32
    %mul3A_310 = vector.broadcast %mul3A_309 : f32 to vector<512x1xf32>
    %mul3A_311 = arith.mulf %mul3A_310, %broadcast_in_dim3A_308 : vector<512x1xf32>
    %sub3A_312 = arith.subf %mul3A_311, %broadcast_in_dim3A : vector<512x1xf32>
    %sub3A_313 = arith.subf %sub3A_312, %broadcast_in_dim3A_304 : vector<512x1xf32>
    %get3A_314 = arith.constant 16 : index
    %get3A_315 = arith.constant 0 : index
    %get3A_316 = arith.constant 0 : index
    %get3A_317 = vector.load %arg3[%get3A_314, %get3A_315, %get3A_316] : memref<20x512x64xf32, #tpu.memory_space<vmem>>, vector<1x512x64xf32>
    %get3A_318 = vector.shape_cast %get3A_317 : vector<1x512x64xf32> to vector<512x64xf32>
    %mul3A_319 = arith.mulf %get3A_318, %get3A_318 : vector<512x64xf32>
    %reduce_sum3A_320 = arith.constant dense<0.000000e+00> : vector<512xf32>
    %reduce_sum3A_321 = vector.multi_reduction <add>, %mul3A_319, %reduce_sum3A_320 [1] : vector<512x64xf32> to vector<512xf32>
    %broadcast_in_dim3A_322 = vector.shape_cast %reduce_sum3A_321 : vector<512xf32> to vector<512x1xf32>
    %mul3A_323 = arith.mulf %get3A_1, %get3A_318 : vector<512x64xf32>
    %reduce_sum3A_324 = arith.constant dense<0.000000e+00> : vector<512xf32>
    %reduce_sum3A_325 = vector.multi_reduction <add>, %mul3A_323, %reduce_sum3A_324 [1] : vector<512x64xf32> to vector<512xf32>
    %broadcast_in_dim3A_326 = vector.shape_cast %reduce_sum3A_325 : vector<512xf32> to vector<512x1xf32>
    %mul3A_327 = arith.constant 2.000000e+00 : f32
    %mul3A_328 = vector.broadcast %mul3A_327 : f32 to vector<512x1xf32>
    %mul3A_329 = arith.mulf %mul3A_328, %broadcast_in_dim3A_326 : vector<512x1xf32>
    %sub3A_330 = arith.subf %mul3A_329, %broadcast_in_dim3A : vector<512x1xf32>
    %sub3A_331 = arith.subf %sub3A_330, %broadcast_in_dim3A_322 : vector<512x1xf32>
    %get3A_332 = arith.constant 17 : index
    %get3A_333 = arith.constant 0 : index
    %get3A_334 = arith.constant 0 : index
    %get3A_335 = vector.load %arg3[%get3A_332, %get3A_333, %get3A_334] : memref<20x512x64xf32, #tpu.memory_space<vmem>>, vector<1x512x64xf32>
    %get3A_336 = vector.shape_cast %get3A_335 : vector<1x512x64xf32> to vector<512x64xf32>
    %mul3A_337 = arith.mulf %get3A_336, %get3A_336 : vector<512x64xf32>
    %reduce_sum3A_338 = arith.constant dense<0.000000e+00> : vector<512xf32>
    %reduce_sum3A_339 = vector.multi_reduction <add>, %mul3A_337, %reduce_sum3A_338 [1] : vector<512x64xf32> to vector<512xf32>
    %broadcast_in_dim3A_340 = vector.shape_cast %reduce_sum3A_339 : vector<512xf32> to vector<512x1xf32>
    %mul3A_341 = arith.mulf %get3A_1, %get3A_336 : vector<512x64xf32>
    %reduce_sum3A_342 = arith.constant dense<0.000000e+00> : vector<512xf32>
    %reduce_sum3A_343 = vector.multi_reduction <add>, %mul3A_341, %reduce_sum3A_342 [1] : vector<512x64xf32> to vector<512xf32>
    %broadcast_in_dim3A_344 = vector.shape_cast %reduce_sum3A_343 : vector<512xf32> to vector<512x1xf32>
    %mul3A_345 = arith.constant 2.000000e+00 : f32
    %mul3A_346 = vector.broadcast %mul3A_345 : f32 to vector<512x1xf32>
    %mul3A_347 = arith.mulf %mul3A_346, %broadcast_in_dim3A_344 : vector<512x1xf32>
    %sub3A_348 = arith.subf %mul3A_347, %broadcast_in_dim3A : vector<512x1xf32>
    %sub3A_349 = arith.subf %sub3A_348, %broadcast_in_dim3A_340 : vector<512x1xf32>
    %get3A_350 = arith.constant 18 : index
    %get3A_351 = arith.constant 0 : index
    %get3A_352 = arith.constant 0 : index
    %get3A_353 = vector.load %arg3[%get3A_350, %get3A_351, %get3A_352] : memref<20x512x64xf32, #tpu.memory_space<vmem>>, vector<1x512x64xf32>
    %get3A_354 = vector.shape_cast %get3A_353 : vector<1x512x64xf32> to vector<512x64xf32>
    %mul3A_355 = arith.mulf %get3A_354, %get3A_354 : vector<512x64xf32>
    %reduce_sum3A_356 = arith.constant dense<0.000000e+00> : vector<512xf32>
    %reduce_sum3A_357 = vector.multi_reduction <add>, %mul3A_355, %reduce_sum3A_356 [1] : vector<512x64xf32> to vector<512xf32>
    %broadcast_in_dim3A_358 = vector.shape_cast %reduce_sum3A_357 : vector<512xf32> to vector<512x1xf32>
    %mul3A_359 = arith.mulf %get3A_1, %get3A_354 : vector<512x64xf32>
    %reduce_sum3A_360 = arith.constant dense<0.000000e+00> : vector<512xf32>
    %reduce_sum3A_361 = vector.multi_reduction <add>, %mul3A_359, %reduce_sum3A_360 [1] : vector<512x64xf32> to vector<512xf32>
    %broadcast_in_dim3A_362 = vector.shape_cast %reduce_sum3A_361 : vector<512xf32> to vector<512x1xf32>
    %mul3A_363 = arith.constant 2.000000e+00 : f32
    %mul3A_364 = vector.broadcast %mul3A_363 : f32 to vector<512x1xf32>
    %mul3A_365 = arith.mulf %mul3A_364, %broadcast_in_dim3A_362 : vector<512x1xf32>
    %sub3A_366 = arith.subf %mul3A_365, %broadcast_in_dim3A : vector<512x1xf32>
    %sub3A_367 = arith.subf %sub3A_366, %broadcast_in_dim3A_358 : vector<512x1xf32>
    %get3A_368 = arith.constant 19 : index
    %get3A_369 = arith.constant 0 : index
    %get3A_370 = arith.constant 0 : index
    %get3A_371 = vector.load %arg3[%get3A_368, %get3A_369, %get3A_370] : memref<20x512x64xf32, #tpu.memory_space<vmem>>, vector<1x512x64xf32>
    %get3A_372 = vector.shape_cast %get3A_371 : vector<1x512x64xf32> to vector<512x64xf32>
    %mul3A_373 = arith.mulf %get3A_372, %get3A_372 : vector<512x64xf32>
    %reduce_sum3A_374 = arith.constant dense<0.000000e+00> : vector<512xf32>
    %reduce_sum3A_375 = vector.multi_reduction <add>, %mul3A_373, %reduce_sum3A_374 [1] : vector<512x64xf32> to vector<512xf32>
    %broadcast_in_dim3A_376 = vector.shape_cast %reduce_sum3A_375 : vector<512xf32> to vector<512x1xf32>
    %mul3A_377 = arith.mulf %get3A_1, %get3A_372 : vector<512x64xf32>
    %reduce_sum3A_378 = arith.constant dense<0.000000e+00> : vector<512xf32>
    %reduce_sum3A_379 = vector.multi_reduction <add>, %mul3A_377, %reduce_sum3A_378 [1] : vector<512x64xf32> to vector<512xf32>
    %broadcast_in_dim3A_380 = vector.shape_cast %reduce_sum3A_379 : vector<512xf32> to vector<512x1xf32>
    %mul3A_381 = arith.constant 2.000000e+00 : f32
    %mul3A_382 = vector.broadcast %mul3A_381 : f32 to vector<512x1xf32>
    %mul3A_383 = arith.mulf %mul3A_382, %broadcast_in_dim3A_380 : vector<512x1xf32>
    %sub3A_384 = arith.subf %mul3A_383, %broadcast_in_dim3A : vector<512x1xf32>
    %sub3A_385 = arith.subf %sub3A_384, %broadcast_in_dim3A_376 : vector<512x1xf32>
    %concatenate3A = tpu.concatenate %sub3A_43, %sub3A_61, %sub3A_79, %sub3A_97, %sub3A_115, %sub3A_133, %sub3A_151, %sub3A_169, %sub3A_187, %sub3A_205, %sub3A_223, %sub3A_241, %sub3A_259, %sub3A_277, %sub3A_295, %sub3A_313, %sub3A_331, %sub3A_349, %sub3A_367, %sub3A_385 in 1 : vector<512x1xf32>, vector<512x1xf32>, vector<512x1xf32>, vector<512x1xf32>, vector<512x1xf32>, vector<512x1xf32>, vector<512x1xf32>, vector<512x1xf32>, vector<512x1xf32>, vector<512x1xf32>, vector<512x1xf32>, vector<512x1xf32>, vector<512x1xf32>, vector<512x1xf32>, vector<512x1xf32>, vector<512x1xf32>, vector<512x1xf32>, vector<512x1xf32>, vector<512x1xf32>, vector<512x1xf32> -> vector<512x20xf32>
    %concatenate3A_386 = tpu.concatenate %broadcast_in_dim3A_34, %broadcast_in_dim3A_52, %broadcast_in_dim3A_70, %broadcast_in_dim3A_88, %broadcast_in_dim3A_106, %broadcast_in_dim3A_124, %broadcast_in_dim3A_142, %broadcast_in_dim3A_160, %broadcast_in_dim3A_178, %broadcast_in_dim3A_196, %broadcast_in_dim3A_214, %broadcast_in_dim3A_232, %broadcast_in_dim3A_250, %broadcast_in_dim3A_268, %broadcast_in_dim3A_286, %broadcast_in_dim3A_304, %broadcast_in_dim3A_322, %broadcast_in_dim3A_340, %broadcast_in_dim3A_358, %broadcast_in_dim3A_376 in 1 : vector<512x1xf32>, vector<512x1xf32>, vector<512x1xf32>, vector<512x1xf32>, vector<512x1xf32>, vector<512x1xf32>, vector<512x1xf32>, vector<512x1xf32>, vector<512x1xf32>, vector<512x1xf32>, vector<512x1xf32>, vector<512x1xf32>, vector<512x1xf32>, vector<512x1xf32>, vector<512x1xf32>, vector<512x1xf32>, vector<512x1xf32>, vector<512x1xf32>, vector<512x1xf32>, vector<512x1xf32> -> vector<512x20xf32>
    %reduce_max3A = arith.constant dense<0xFF800000> : vector<512xf32>
    %reduce_max3A_387 = vector.multi_reduction <maximumf>, %concatenate3A, %reduce_max3A [1] : vector<512x20xf32> to vector<512xf32>
    %broadcast_in_dim3A_388 = vector.shape_cast %reduce_max3A_387 : vector<512xf32> to vector<512x1xf32>
    %sub3A_389 = vector.broadcast %broadcast_in_dim3A_388 : vector<512x1xf32> to vector<512x20xf32>
    %sub3A_390 = arith.subf %concatenate3A, %sub3A_389 : vector<512x20xf32>
    %exp3A = math.exp %sub3A_390 : vector<512x20xf32>
    %reduce_sum3A_391 = arith.constant dense<0.000000e+00> : vector<512xf32>
    %reduce_sum3A_392 = vector.multi_reduction <add>, %exp3A, %reduce_sum3A_391 [1] : vector<512x20xf32> to vector<512xf32>
    %broadcast_in_dim3A_393 = vector.shape_cast %reduce_sum3A_392 : vector<512xf32> to vector<512x1xf32>
    %div3A = vector.broadcast %broadcast_in_dim3A_393 : vector<512x1xf32> to vector<512x20xf32>
    %div3A_394 = arith.divf %exp3A, %div3A : vector<512x20xf32>
    %mul3A_395 = vector.broadcast %get3A_7 : vector<512x1xf32> to vector<512x20xf32>
    %mul3A_396 = arith.mulf %mul3A_395, %abs3A : vector<512x20xf32>
    %exp3A_397 = math.exp %mul3A_396 : vector<512x20xf32>
    %mul3A_398 = arith.mulf %exp3A_397, %get3A_16 : vector<512x20xf32>
    %mul3A_399 = arith.mulf %div3A_394, %mul3A_398 : vector<512x20xf32>
    %squeeze3A = vector.shape_cast %neg3A_25 : vector<512x1xf32> to vector<512xf32>
    %mul3A_400 = arith.mulf %mul3A_399, %concatenate3A : vector<512x20xf32>
    %reduce_sum3A_401 = arith.constant dense<0.000000e+00> : vector<512xf32>
    %reduce_sum3A_402 = vector.multi_reduction <add>, %mul3A_400, %reduce_sum3A_401 [1] : vector<512x20xf32> to vector<512xf32>
    %add3A = arith.addf %squeeze3A, %reduce_sum3A_402 : vector<512xf32>
    %reduce_sum3A_403 = arith.constant dense<0.000000e+00> : vector<512xf32>
    %reduce_sum3A_404 = vector.multi_reduction <add>, %mul3A_399, %reduce_sum3A_403 [1] : vector<512x20xf32> to vector<512xf32>
    %broadcast_in_dim3A_405 = vector.shape_cast %reduce_sum3A_404 : vector<512xf32> to vector<512x1xf32>
    %mul3A_406 = arith.mulf %mul3A_399, %concatenate3A_386 : vector<512x20xf32>
    %reduce_sum3A_407 = arith.constant dense<0.000000e+00> : vector<512xf32>
    %reduce_sum3A_408 = vector.multi_reduction <add>, %mul3A_406, %reduce_sum3A_407 [1] : vector<512x20xf32> to vector<512xf32>
    %broadcast_in_dim3A_409 = vector.shape_cast %reduce_sum3A_408 : vector<512xf32> to vector<512x1xf32>
    %broadcast_in_dim3A_410 = arith.constant 0.000000e+00 : f32
    %broadcast_in_dim3A_411 = vector.broadcast %broadcast_in_dim3A_410 : f32 to vector<512x64xf32>
    %slice3A = vector.extract_strided_slice %mul3A_399 {offsets = [0, 0], sizes = [512, 1], strides = [1, 1]} : vector<512x20xf32> to vector<512x1xf32>
    %get3A_412 = arith.constant 0 : index
    %get3A_413 = arith.constant 0 : index
    %get3A_414 = arith.constant 0 : index
    %get3A_415 = vector.load %arg3[%get3A_412, %get3A_413, %get3A_414] : memref<20x512x64xf32, #tpu.memory_space<vmem>>, vector<1x512x64xf32>
    %get3A_416 = vector.shape_cast %get3A_415 : vector<1x512x64xf32> to vector<512x64xf32>
    %mul3A_417 = vector.broadcast %slice3A : vector<512x1xf32> to vector<512x64xf32>
    %mul3A_418 = arith.mulf %mul3A_417, %get3A_416 : vector<512x64xf32>
    %add3A_419 = arith.addf %broadcast_in_dim3A_411, %mul3A_418 : vector<512x64xf32>
    %slice3A_420 = vector.extract_strided_slice %mul3A_399 {offsets = [0, 1], sizes = [512, 1], strides = [1, 1]} : vector<512x20xf32> to vector<512x1xf32>
    %get3A_421 = arith.constant 1 : index
    %get3A_422 = arith.constant 0 : index
    %get3A_423 = arith.constant 0 : index
    %get3A_424 = vector.load %arg3[%get3A_421, %get3A_422, %get3A_423] : memref<20x512x64xf32, #tpu.memory_space<vmem>>, vector<1x512x64xf32>
    %get3A_425 = vector.shape_cast %get3A_424 : vector<1x512x64xf32> to vector<512x64xf32>
    %mul3A_426 = vector.broadcast %slice3A_420 : vector<512x1xf32> to vector<512x64xf32>
    %mul3A_427 = arith.mulf %mul3A_426, %get3A_425 : vector<512x64xf32>
    %add3A_428 = arith.addf %add3A_419, %mul3A_427 : vector<512x64xf32>
    %slice3A_429 = vector.extract_strided_slice %mul3A_399 {offsets = [0, 2], sizes = [512, 1], strides = [1, 1]} : vector<512x20xf32> to vector<512x1xf32>
    %get3A_430 = arith.constant 2 : index
    %get3A_431 = arith.constant 0 : index
    %get3A_432 = arith.constant 0 : index
    %get3A_433 = vector.load %arg3[%get3A_430, %get3A_431, %get3A_432] : memref<20x512x64xf32, #tpu.memory_space<vmem>>, vector<1x512x64xf32>
    %get3A_434 = vector.shape_cast %get3A_433 : vector<1x512x64xf32> to vector<512x64xf32>
    %mul3A_435 = vector.broadcast %slice3A_429 : vector<512x1xf32> to vector<512x64xf32>
    %mul3A_436 = arith.mulf %mul3A_435, %get3A_434 : vector<512x64xf32>
    %add3A_437 = arith.addf %add3A_428, %mul3A_436 : vector<512x64xf32>
    %slice3A_438 = vector.extract_strided_slice %mul3A_399 {offsets = [0, 3], sizes = [512, 1], strides = [1, 1]} : vector<512x20xf32> to vector<512x1xf32>
    %get3A_439 = arith.constant 3 : index
    %get3A_440 = arith.constant 0 : index
    %get3A_441 = arith.constant 0 : index
    %get3A_442 = vector.load %arg3[%get3A_439, %get3A_440, %get3A_441] : memref<20x512x64xf32, #tpu.memory_space<vmem>>, vector<1x512x64xf32>
    %get3A_443 = vector.shape_cast %get3A_442 : vector<1x512x64xf32> to vector<512x64xf32>
    %mul3A_444 = vector.broadcast %slice3A_438 : vector<512x1xf32> to vector<512x64xf32>
    %mul3A_445 = arith.mulf %mul3A_444, %get3A_443 : vector<512x64xf32>
    %add3A_446 = arith.addf %add3A_437, %mul3A_445 : vector<512x64xf32>
    %slice3A_447 = vector.extract_strided_slice %mul3A_399 {offsets = [0, 4], sizes = [512, 1], strides = [1, 1]} : vector<512x20xf32> to vector<512x1xf32>
    %get3A_448 = arith.constant 4 : index
    %get3A_449 = arith.constant 0 : index
    %get3A_450 = arith.constant 0 : index
    %get3A_451 = vector.load %arg3[%get3A_448, %get3A_449, %get3A_450] : memref<20x512x64xf32, #tpu.memory_space<vmem>>, vector<1x512x64xf32>
    %get3A_452 = vector.shape_cast %get3A_451 : vector<1x512x64xf32> to vector<512x64xf32>
    %mul3A_453 = vector.broadcast %slice3A_447 : vector<512x1xf32> to vector<512x64xf32>
    %mul3A_454 = arith.mulf %mul3A_453, %get3A_452 : vector<512x64xf32>
    %add3A_455 = arith.addf %add3A_446, %mul3A_454 : vector<512x64xf32>
    %slice3A_456 = vector.extract_strided_slice %mul3A_399 {offsets = [0, 5], sizes = [512, 1], strides = [1, 1]} : vector<512x20xf32> to vector<512x1xf32>
    %get3A_457 = arith.constant 5 : index
    %get3A_458 = arith.constant 0 : index
    %get3A_459 = arith.constant 0 : index
    %get3A_460 = vector.load %arg3[%get3A_457, %get3A_458, %get3A_459] : memref<20x512x64xf32, #tpu.memory_space<vmem>>, vector<1x512x64xf32>
    %get3A_461 = vector.shape_cast %get3A_460 : vector<1x512x64xf32> to vector<512x64xf32>
    %mul3A_462 = vector.broadcast %slice3A_456 : vector<512x1xf32> to vector<512x64xf32>
    %mul3A_463 = arith.mulf %mul3A_462, %get3A_461 : vector<512x64xf32>
    %add3A_464 = arith.addf %add3A_455, %mul3A_463 : vector<512x64xf32>
    %slice3A_465 = vector.extract_strided_slice %mul3A_399 {offsets = [0, 6], sizes = [512, 1], strides = [1, 1]} : vector<512x20xf32> to vector<512x1xf32>
    %get3A_466 = arith.constant 6 : index
    %get3A_467 = arith.constant 0 : index
    %get3A_468 = arith.constant 0 : index
    %get3A_469 = vector.load %arg3[%get3A_466, %get3A_467, %get3A_468] : memref<20x512x64xf32, #tpu.memory_space<vmem>>, vector<1x512x64xf32>
    %get3A_470 = vector.shape_cast %get3A_469 : vector<1x512x64xf32> to vector<512x64xf32>
    %mul3A_471 = vector.broadcast %slice3A_465 : vector<512x1xf32> to vector<512x64xf32>
    %mul3A_472 = arith.mulf %mul3A_471, %get3A_470 : vector<512x64xf32>
    %add3A_473 = arith.addf %add3A_464, %mul3A_472 : vector<512x64xf32>
    %slice3A_474 = vector.extract_strided_slice %mul3A_399 {offsets = [0, 7], sizes = [512, 1], strides = [1, 1]} : vector<512x20xf32> to vector<512x1xf32>
    %get3A_475 = arith.constant 7 : index
    %get3A_476 = arith.constant 0 : index
    %get3A_477 = arith.constant 0 : index
    %get3A_478 = vector.load %arg3[%get3A_475, %get3A_476, %get3A_477] : memref<20x512x64xf32, #tpu.memory_space<vmem>>, vector<1x512x64xf32>
    %get3A_479 = vector.shape_cast %get3A_478 : vector<1x512x64xf32> to vector<512x64xf32>
    %mul3A_480 = vector.broadcast %slice3A_474 : vector<512x1xf32> to vector<512x64xf32>
    %mul3A_481 = arith.mulf %mul3A_480, %get3A_479 : vector<512x64xf32>
    %add3A_482 = arith.addf %add3A_473, %mul3A_481 : vector<512x64xf32>
    %slice3A_483 = vector.extract_strided_slice %mul3A_399 {offsets = [0, 8], sizes = [512, 1], strides = [1, 1]} : vector<512x20xf32> to vector<512x1xf32>
    %get3A_484 = arith.constant 8 : index
    %get3A_485 = arith.constant 0 : index
    %get3A_486 = arith.constant 0 : index
    %get3A_487 = vector.load %arg3[%get3A_484, %get3A_485, %get3A_486] : memref<20x512x64xf32, #tpu.memory_space<vmem>>, vector<1x512x64xf32>
    %get3A_488 = vector.shape_cast %get3A_487 : vector<1x512x64xf32> to vector<512x64xf32>
    %mul3A_489 = vector.broadcast %slice3A_483 : vector<512x1xf32> to vector<512x64xf32>
    %mul3A_490 = arith.mulf %mul3A_489, %get3A_488 : vector<512x64xf32>
    %add3A_491 = arith.addf %add3A_482, %mul3A_490 : vector<512x64xf32>
    %slice3A_492 = vector.extract_strided_slice %mul3A_399 {offsets = [0, 9], sizes = [512, 1], strides = [1, 1]} : vector<512x20xf32> to vector<512x1xf32>
    %get3A_493 = arith.constant 9 : index
    %get3A_494 = arith.constant 0 : index
    %get3A_495 = arith.constant 0 : index
    %get3A_496 = vector.load %arg3[%get3A_493, %get3A_494, %get3A_495] : memref<20x512x64xf32, #tpu.memory_space<vmem>>, vector<1x512x64xf32>
    %get3A_497 = vector.shape_cast %get3A_496 : vector<1x512x64xf32> to vector<512x64xf32>
    %mul3A_498 = vector.broadcast %slice3A_492 : vector<512x1xf32> to vector<512x64xf32>
    %mul3A_499 = arith.mulf %mul3A_498, %get3A_497 : vector<512x64xf32>
    %add3A_500 = arith.addf %add3A_491, %mul3A_499 : vector<512x64xf32>
    %slice3A_501 = vector.extract_strided_slice %mul3A_399 {offsets = [0, 10], sizes = [512, 1], strides = [1, 1]} : vector<512x20xf32> to vector<512x1xf32>
    %get3A_502 = arith.constant 10 : index
    %get3A_503 = arith.constant 0 : index
    %get3A_504 = arith.constant 0 : index
    %get3A_505 = vector.load %arg3[%get3A_502, %get3A_503, %get3A_504] : memref<20x512x64xf32, #tpu.memory_space<vmem>>, vector<1x512x64xf32>
    %get3A_506 = vector.shape_cast %get3A_505 : vector<1x512x64xf32> to vector<512x64xf32>
    %mul3A_507 = vector.broadcast %slice3A_501 : vector<512x1xf32> to vector<512x64xf32>
    %mul3A_508 = arith.mulf %mul3A_507, %get3A_506 : vector<512x64xf32>
    %add3A_509 = arith.addf %add3A_500, %mul3A_508 : vector<512x64xf32>
    %slice3A_510 = vector.extract_strided_slice %mul3A_399 {offsets = [0, 11], sizes = [512, 1], strides = [1, 1]} : vector<512x20xf32> to vector<512x1xf32>
    %get3A_511 = arith.constant 11 : index
    %get3A_512 = arith.constant 0 : index
    %get3A_513 = arith.constant 0 : index
    %get3A_514 = vector.load %arg3[%get3A_511, %get3A_512, %get3A_513] : memref<20x512x64xf32, #tpu.memory_space<vmem>>, vector<1x512x64xf32>
    %get3A_515 = vector.shape_cast %get3A_514 : vector<1x512x64xf32> to vector<512x64xf32>
    %mul3A_516 = vector.broadcast %slice3A_510 : vector<512x1xf32> to vector<512x64xf32>
    %mul3A_517 = arith.mulf %mul3A_516, %get3A_515 : vector<512x64xf32>
    %add3A_518 = arith.addf %add3A_509, %mul3A_517 : vector<512x64xf32>
    %slice3A_519 = vector.extract_strided_slice %mul3A_399 {offsets = [0, 12], sizes = [512, 1], strides = [1, 1]} : vector<512x20xf32> to vector<512x1xf32>
    %get3A_520 = arith.constant 12 : index
    %get3A_521 = arith.constant 0 : index
    %get3A_522 = arith.constant 0 : index
    %get3A_523 = vector.load %arg3[%get3A_520, %get3A_521, %get3A_522] : memref<20x512x64xf32, #tpu.memory_space<vmem>>, vector<1x512x64xf32>
    %get3A_524 = vector.shape_cast %get3A_523 : vector<1x512x64xf32> to vector<512x64xf32>
    %mul3A_525 = vector.broadcast %slice3A_519 : vector<512x1xf32> to vector<512x64xf32>
    %mul3A_526 = arith.mulf %mul3A_525, %get3A_524 : vector<512x64xf32>
    %add3A_527 = arith.addf %add3A_518, %mul3A_526 : vector<512x64xf32>
    %slice3A_528 = vector.extract_strided_slice %mul3A_399 {offsets = [0, 13], sizes = [512, 1], strides = [1, 1]} : vector<512x20xf32> to vector<512x1xf32>
    %get3A_529 = arith.constant 13 : index
    %get3A_530 = arith.constant 0 : index
    %get3A_531 = arith.constant 0 : index
    %get3A_532 = vector.load %arg3[%get3A_529, %get3A_530, %get3A_531] : memref<20x512x64xf32, #tpu.memory_space<vmem>>, vector<1x512x64xf32>
    %get3A_533 = vector.shape_cast %get3A_532 : vector<1x512x64xf32> to vector<512x64xf32>
    %mul3A_534 = vector.broadcast %slice3A_528 : vector<512x1xf32> to vector<512x64xf32>
    %mul3A_535 = arith.mulf %mul3A_534, %get3A_533 : vector<512x64xf32>
    %add3A_536 = arith.addf %add3A_527, %mul3A_535 : vector<512x64xf32>
    %slice3A_537 = vector.extract_strided_slice %mul3A_399 {offsets = [0, 14], sizes = [512, 1], strides = [1, 1]} : vector<512x20xf32> to vector<512x1xf32>
    %get3A_538 = arith.constant 14 : index
    %get3A_539 = arith.constant 0 : index
    %get3A_540 = arith.constant 0 : index
    %get3A_541 = vector.load %arg3[%get3A_538, %get3A_539, %get3A_540] : memref<20x512x64xf32, #tpu.memory_space<vmem>>, vector<1x512x64xf32>
    %get3A_542 = vector.shape_cast %get3A_541 : vector<1x512x64xf32> to vector<512x64xf32>
    %mul3A_543 = vector.broadcast %slice3A_537 : vector<512x1xf32> to vector<512x64xf32>
    %mul3A_544 = arith.mulf %mul3A_543, %get3A_542 : vector<512x64xf32>
    %add3A_545 = arith.addf %add3A_536, %mul3A_544 : vector<512x64xf32>
    %slice3A_546 = vector.extract_strided_slice %mul3A_399 {offsets = [0, 15], sizes = [512, 1], strides = [1, 1]} : vector<512x20xf32> to vector<512x1xf32>
    %get3A_547 = arith.constant 15 : index
    %get3A_548 = arith.constant 0 : index
    %get3A_549 = arith.constant 0 : index
    %get3A_550 = vector.load %arg3[%get3A_547, %get3A_548, %get3A_549] : memref<20x512x64xf32, #tpu.memory_space<vmem>>, vector<1x512x64xf32>
    %get3A_551 = vector.shape_cast %get3A_550 : vector<1x512x64xf32> to vector<512x64xf32>
    %mul3A_552 = vector.broadcast %slice3A_546 : vector<512x1xf32> to vector<512x64xf32>
    %mul3A_553 = arith.mulf %mul3A_552, %get3A_551 : vector<512x64xf32>
    %add3A_554 = arith.addf %add3A_545, %mul3A_553 : vector<512x64xf32>
    %slice3A_555 = vector.extract_strided_slice %mul3A_399 {offsets = [0, 16], sizes = [512, 1], strides = [1, 1]} : vector<512x20xf32> to vector<512x1xf32>
    %get3A_556 = arith.constant 16 : index
    %get3A_557 = arith.constant 0 : index
    %get3A_558 = arith.constant 0 : index
    %get3A_559 = vector.load %arg3[%get3A_556, %get3A_557, %get3A_558] : memref<20x512x64xf32, #tpu.memory_space<vmem>>, vector<1x512x64xf32>
    %get3A_560 = vector.shape_cast %get3A_559 : vector<1x512x64xf32> to vector<512x64xf32>
    %mul3A_561 = vector.broadcast %slice3A_555 : vector<512x1xf32> to vector<512x64xf32>
    %mul3A_562 = arith.mulf %mul3A_561, %get3A_560 : vector<512x64xf32>
    %add3A_563 = arith.addf %add3A_554, %mul3A_562 : vector<512x64xf32>
    %slice3A_564 = vector.extract_strided_slice %mul3A_399 {offsets = [0, 17], sizes = [512, 1], strides = [1, 1]} : vector<512x20xf32> to vector<512x1xf32>
    %get3A_565 = arith.constant 17 : index
    %get3A_566 = arith.constant 0 : index
    %get3A_567 = arith.constant 0 : index
    %get3A_568 = vector.load %arg3[%get3A_565, %get3A_566, %get3A_567] : memref<20x512x64xf32, #tpu.memory_space<vmem>>, vector<1x512x64xf32>
    %get3A_569 = vector.shape_cast %get3A_568 : vector<1x512x64xf32> to vector<512x64xf32>
    %mul3A_570 = vector.broadcast %slice3A_564 : vector<512x1xf32> to vector<512x64xf32>
    %mul3A_571 = arith.mulf %mul3A_570, %get3A_569 : vector<512x64xf32>
    %add3A_572 = arith.addf %add3A_563, %mul3A_571 : vector<512x64xf32>
    %slice3A_573 = vector.extract_strided_slice %mul3A_399 {offsets = [0, 18], sizes = [512, 1], strides = [1, 1]} : vector<512x20xf32> to vector<512x1xf32>
    %get3A_574 = arith.constant 18 : index
    %get3A_575 = arith.constant 0 : index
    %get3A_576 = arith.constant 0 : index
    %get3A_577 = vector.load %arg3[%get3A_574, %get3A_575, %get3A_576] : memref<20x512x64xf32, #tpu.memory_space<vmem>>, vector<1x512x64xf32>
    %get3A_578 = vector.shape_cast %get3A_577 : vector<1x512x64xf32> to vector<512x64xf32>
    %mul3A_579 = vector.broadcast %slice3A_573 : vector<512x1xf32> to vector<512x64xf32>
    %mul3A_580 = arith.mulf %mul3A_579, %get3A_578 : vector<512x64xf32>
    %add3A_581 = arith.addf %add3A_572, %mul3A_580 : vector<512x64xf32>
    %slice3A_582 = vector.extract_strided_slice %mul3A_399 {offsets = [0, 19], sizes = [512, 1], strides = [1, 1]} : vector<512x20xf32> to vector<512x1xf32>
    %get3A_583 = arith.constant 19 : index
    %get3A_584 = arith.constant 0 : index
    %get3A_585 = arith.constant 0 : index
    %get3A_586 = vector.load %arg3[%get3A_583, %get3A_584, %get3A_585] : memref<20x512x64xf32, #tpu.memory_space<vmem>>, vector<1x512x64xf32>
    %get3A_587 = vector.shape_cast %get3A_586 : vector<1x512x64xf32> to vector<512x64xf32>
    %mul3A_588 = vector.broadcast %slice3A_582 : vector<512x1xf32> to vector<512x64xf32>
    %mul3A_589 = arith.mulf %mul3A_588, %get3A_587 : vector<512x64xf32>
    %add3A_590 = arith.addf %add3A_581, %mul3A_589 : vector<512x64xf32>
    %min3A = arith.constant 0.000000e+00 : f32
    %min3A_591 = vector.broadcast %min3A : f32 to vector<512xf32>
    %min3A_592 = arith.minimumf %add3A, %min3A_591 : vector<512xf32>
    %abs3A_593 = math.absf %add3A : vector<512xf32>
    %neg3A_594 = arith.constant 0.000000e+00 : f32
    %neg3A_595 = vector.broadcast %neg3A_594 : f32 to vector<512xf32>
    %neg3A_596 = arith.subf %neg3A_595, %abs3A_593 : vector<512xf32>
    %exp3A_597 = math.exp %neg3A_596 : vector<512xf32>
    %log1p3A = math.log1p %exp3A_597 : vector<512xf32>
    %sub3A_598 = arith.subf %min3A_592, %log1p3A : vector<512xf32>
    %get3A_599 = arith.constant 0 : index
    %get3A_600 = arith.constant 0 : index
    %get3A_601 = arith.constant 0 : index
    %get3A_602 = vector.load %arg4[%get3A_599, %get3A_600, %get3A_601] : memref<5x512x64xf32, #tpu.memory_space<vmem>>, vector<1x512x64xf32>
    %get3A_603 = vector.shape_cast %get3A_602 : vector<1x512x64xf32> to vector<512x64xf32>
    %mul3A_604 = arith.mulf %get3A_603, %get3A_603 : vector<512x64xf32>
    %reduce_sum3A_605 = arith.constant dense<0.000000e+00> : vector<512xf32>
    %reduce_sum3A_606 = vector.multi_reduction <add>, %mul3A_604, %reduce_sum3A_605 [1] : vector<512x64xf32> to vector<512xf32>
    %broadcast_in_dim3A_607 = vector.shape_cast %reduce_sum3A_606 : vector<512xf32> to vector<512x1xf32>
    %mul3A_608 = arith.mulf %get3A_1, %get3A_603 : vector<512x64xf32>
    %reduce_sum3A_609 = arith.constant dense<0.000000e+00> : vector<512xf32>
    %reduce_sum3A_610 = vector.multi_reduction <add>, %mul3A_608, %reduce_sum3A_609 [1] : vector<512x64xf32> to vector<512xf32>
    %broadcast_in_dim3A_611 = vector.shape_cast %reduce_sum3A_610 : vector<512xf32> to vector<512x1xf32>
    %mul3A_612 = arith.mulf %add3A_590, %get3A_603 : vector<512x64xf32>
    %reduce_sum3A_613 = arith.constant dense<0.000000e+00> : vector<512xf32>
    %reduce_sum3A_614 = vector.multi_reduction <add>, %mul3A_612, %reduce_sum3A_613 [1] : vector<512x64xf32> to vector<512xf32>
    %broadcast_in_dim3A_615 = vector.shape_cast %reduce_sum3A_614 : vector<512xf32> to vector<512x1xf32>
    %mul3A_616 = arith.constant 2.000000e+00 : f32
    %mul3A_617 = vector.broadcast %mul3A_616 : f32 to vector<512x1xf32>
    %mul3A_618 = arith.mulf %mul3A_617, %broadcast_in_dim3A_611 : vector<512x1xf32>
    %sub3A_619 = arith.subf %mul3A_618, %broadcast_in_dim3A : vector<512x1xf32>
    %sub3A_620 = arith.subf %sub3A_619, %broadcast_in_dim3A_607 : vector<512x1xf32>
    %sub3A_621 = arith.subf %sub3A_620, %broadcast_in_dim3A_409 : vector<512x1xf32>
    %mul3A_622 = arith.mulf %broadcast_in_dim3A_405, %broadcast_in_dim3A_607 : vector<512x1xf32>
    %sub3A_623 = arith.subf %sub3A_621, %mul3A_622 : vector<512x1xf32>
    %mul3A_624 = arith.constant 2.000000e+00 : f32
    %mul3A_625 = vector.broadcast %mul3A_624 : f32 to vector<512x1xf32>
    %mul3A_626 = arith.mulf %mul3A_625, %broadcast_in_dim3A_615 : vector<512x1xf32>
    %add3A_627 = arith.addf %sub3A_623, %mul3A_626 : vector<512x1xf32>
    %squeeze3A_628 = vector.shape_cast %add3A_627 : vector<512x1xf32> to vector<512xf32>
    %min3A_629 = arith.constant 0.000000e+00 : f32
    %min3A_630 = vector.broadcast %min3A_629 : f32 to vector<512xf32>
    %min3A_631 = arith.minimumf %squeeze3A_628, %min3A_630 : vector<512xf32>
    %abs3A_632 = math.absf %squeeze3A_628 : vector<512xf32>
    %neg3A_633 = arith.constant 0.000000e+00 : f32
    %neg3A_634 = vector.broadcast %neg3A_633 : f32 to vector<512xf32>
    %neg3A_635 = arith.subf %neg3A_634, %abs3A_632 : vector<512xf32>
    %exp3A_636 = math.exp %neg3A_635 : vector<512xf32>
    %log1p3A_637 = math.log1p %exp3A_636 : vector<512xf32>
    %sub3A_638 = arith.subf %min3A_631, %log1p3A_637 : vector<512xf32>
    %sub3A_639 = arith.subf %sub3A_598, %sub3A_638 : vector<512xf32>
    %get3A_640 = arith.constant 1 : index
    %get3A_641 = arith.constant 0 : index
    %get3A_642 = arith.constant 0 : index
    %get3A_643 = vector.load %arg4[%get3A_640, %get3A_641, %get3A_642] : memref<5x512x64xf32, #tpu.memory_space<vmem>>, vector<1x512x64xf32>
    %get3A_644 = vector.shape_cast %get3A_643 : vector<1x512x64xf32> to vector<512x64xf32>
    %mul3A_645 = arith.mulf %get3A_644, %get3A_644 : vector<512x64xf32>
    %reduce_sum3A_646 = arith.constant dense<0.000000e+00> : vector<512xf32>
    %reduce_sum3A_647 = vector.multi_reduction <add>, %mul3A_645, %reduce_sum3A_646 [1] : vector<512x64xf32> to vector<512xf32>
    %broadcast_in_dim3A_648 = vector.shape_cast %reduce_sum3A_647 : vector<512xf32> to vector<512x1xf32>
    %mul3A_649 = arith.mulf %get3A_1, %get3A_644 : vector<512x64xf32>
    %reduce_sum3A_650 = arith.constant dense<0.000000e+00> : vector<512xf32>
    %reduce_sum3A_651 = vector.multi_reduction <add>, %mul3A_649, %reduce_sum3A_650 [1] : vector<512x64xf32> to vector<512xf32>
    %broadcast_in_dim3A_652 = vector.shape_cast %reduce_sum3A_651 : vector<512xf32> to vector<512x1xf32>
    %mul3A_653 = arith.mulf %add3A_590, %get3A_644 : vector<512x64xf32>
    %reduce_sum3A_654 = arith.constant dense<0.000000e+00> : vector<512xf32>
    %reduce_sum3A_655 = vector.multi_reduction <add>, %mul3A_653, %reduce_sum3A_654 [1] : vector<512x64xf32> to vector<512xf32>
    %broadcast_in_dim3A_656 = vector.shape_cast %reduce_sum3A_655 : vector<512xf32> to vector<512x1xf32>
    %mul3A_657 = arith.constant 2.000000e+00 : f32
    %mul3A_658 = vector.broadcast %mul3A_657 : f32 to vector<512x1xf32>
    %mul3A_659 = arith.mulf %mul3A_658, %broadcast_in_dim3A_652 : vector<512x1xf32>
    %sub3A_660 = arith.subf %mul3A_659, %broadcast_in_dim3A : vector<512x1xf32>
    %sub3A_661 = arith.subf %sub3A_660, %broadcast_in_dim3A_648 : vector<512x1xf32>
    %sub3A_662 = arith.subf %sub3A_661, %broadcast_in_dim3A_409 : vector<512x1xf32>
    %mul3A_663 = arith.mulf %broadcast_in_dim3A_405, %broadcast_in_dim3A_648 : vector<512x1xf32>
    %sub3A_664 = arith.subf %sub3A_662, %mul3A_663 : vector<512x1xf32>
    %mul3A_665 = arith.constant 2.000000e+00 : f32
    %mul3A_666 = vector.broadcast %mul3A_665 : f32 to vector<512x1xf32>
    %mul3A_667 = arith.mulf %mul3A_666, %broadcast_in_dim3A_656 : vector<512x1xf32>
    %add3A_668 = arith.addf %sub3A_664, %mul3A_667 : vector<512x1xf32>
    %squeeze3A_669 = vector.shape_cast %add3A_668 : vector<512x1xf32> to vector<512xf32>
    %min3A_670 = arith.constant 0.000000e+00 : f32
    %min3A_671 = vector.broadcast %min3A_670 : f32 to vector<512xf32>
    %min3A_672 = arith.minimumf %squeeze3A_669, %min3A_671 : vector<512xf32>
    %abs3A_673 = math.absf %squeeze3A_669 : vector<512xf32>
    %neg3A_674 = arith.constant 0.000000e+00 : f32
    %neg3A_675 = vector.broadcast %neg3A_674 : f32 to vector<512xf32>
    %neg3A_676 = arith.subf %neg3A_675, %abs3A_673 : vector<512xf32>
    %exp3A_677 = math.exp %neg3A_676 : vector<512xf32>
    %log1p3A_678 = math.log1p %exp3A_677 : vector<512xf32>
    %sub3A_679 = arith.subf %min3A_672, %log1p3A_678 : vector<512xf32>
    %sub3A_680 = arith.subf %sub3A_639, %sub3A_679 : vector<512xf32>
    %get3A_681 = arith.constant 2 : index
    %get3A_682 = arith.constant 0 : index
    %get3A_683 = arith.constant 0 : index
    %get3A_684 = vector.load %arg4[%get3A_681, %get3A_682, %get3A_683] : memref<5x512x64xf32, #tpu.memory_space<vmem>>, vector<1x512x64xf32>
    %get3A_685 = vector.shape_cast %get3A_684 : vector<1x512x64xf32> to vector<512x64xf32>
    %mul3A_686 = arith.mulf %get3A_685, %get3A_685 : vector<512x64xf32>
    %reduce_sum3A_687 = arith.constant dense<0.000000e+00> : vector<512xf32>
    %reduce_sum3A_688 = vector.multi_reduction <add>, %mul3A_686, %reduce_sum3A_687 [1] : vector<512x64xf32> to vector<512xf32>
    %broadcast_in_dim3A_689 = vector.shape_cast %reduce_sum3A_688 : vector<512xf32> to vector<512x1xf32>
    %mul3A_690 = arith.mulf %get3A_1, %get3A_685 : vector<512x64xf32>
    %reduce_sum3A_691 = arith.constant dense<0.000000e+00> : vector<512xf32>
    %reduce_sum3A_692 = vector.multi_reduction <add>, %mul3A_690, %reduce_sum3A_691 [1] : vector<512x64xf32> to vector<512xf32>
    %broadcast_in_dim3A_693 = vector.shape_cast %reduce_sum3A_692 : vector<512xf32> to vector<512x1xf32>
    %mul3A_694 = arith.mulf %add3A_590, %get3A_685 : vector<512x64xf32>
    %reduce_sum3A_695 = arith.constant dense<0.000000e+00> : vector<512xf32>
    %reduce_sum3A_696 = vector.multi_reduction <add>, %mul3A_694, %reduce_sum3A_695 [1] : vector<512x64xf32> to vector<512xf32>
    %broadcast_in_dim3A_697 = vector.shape_cast %reduce_sum3A_696 : vector<512xf32> to vector<512x1xf32>
    %mul3A_698 = arith.constant 2.000000e+00 : f32
    %mul3A_699 = vector.broadcast %mul3A_698 : f32 to vector<512x1xf32>
    %mul3A_700 = arith.mulf %mul3A_699, %broadcast_in_dim3A_693 : vector<512x1xf32>
    %sub3A_701 = arith.subf %mul3A_700, %broadcast_in_dim3A : vector<512x1xf32>
    %sub3A_702 = arith.subf %sub3A_701, %broadcast_in_dim3A_689 : vector<512x1xf32>
    %sub3A_703 = arith.subf %sub3A_702, %broadcast_in_dim3A_409 : vector<512x1xf32>
    %mul3A_704 = arith.mulf %broadcast_in_dim3A_405, %broadcast_in_dim3A_689 : vector<512x1xf32>
    %sub3A_705 = arith.subf %sub3A_703, %mul3A_704 : vector<512x1xf32>
    %mul3A_706 = arith.constant 2.000000e+00 : f32
    %mul3A_707 = vector.broadcast %mul3A_706 : f32 to vector<512x1xf32>
    %mul3A_708 = arith.mulf %mul3A_707, %broadcast_in_dim3A_697 : vector<512x1xf32>
    %add3A_709 = arith.addf %sub3A_705, %mul3A_708 : vector<512x1xf32>
    %squeeze3A_710 = vector.shape_cast %add3A_709 : vector<512x1xf32> to vector<512xf32>
    %min3A_711 = arith.constant 0.000000e+00 : f32
    %min3A_712 = vector.broadcast %min3A_711 : f32 to vector<512xf32>
    %min3A_713 = arith.minimumf %squeeze3A_710, %min3A_712 : vector<512xf32>
    %abs3A_714 = math.absf %squeeze3A_710 : vector<512xf32>
    %neg3A_715 = arith.constant 0.000000e+00 : f32
    %neg3A_716 = vector.broadcast %neg3A_715 : f32 to vector<512xf32>
    %neg3A_717 = arith.subf %neg3A_716, %abs3A_714 : vector<512xf32>
    %exp3A_718 = math.exp %neg3A_717 : vector<512xf32>
    %log1p3A_719 = math.log1p %exp3A_718 : vector<512xf32>
    %sub3A_720 = arith.subf %min3A_713, %log1p3A_719 : vector<512xf32>
    %sub3A_721 = arith.subf %sub3A_680, %sub3A_720 : vector<512xf32>
    %get3A_722 = arith.constant 3 : index
    %get3A_723 = arith.constant 0 : index
    %get3A_724 = arith.constant 0 : index
    %get3A_725 = vector.load %arg4[%get3A_722, %get3A_723, %get3A_724] : memref<5x512x64xf32, #tpu.memory_space<vmem>>, vector<1x512x64xf32>
    %get3A_726 = vector.shape_cast %get3A_725 : vector<1x512x64xf32> to vector<512x64xf32>
    %mul3A_727 = arith.mulf %get3A_726, %get3A_726 : vector<512x64xf32>
    %reduce_sum3A_728 = arith.constant dense<0.000000e+00> : vector<512xf32>
    %reduce_sum3A_729 = vector.multi_reduction <add>, %mul3A_727, %reduce_sum3A_728 [1] : vector<512x64xf32> to vector<512xf32>
    %broadcast_in_dim3A_730 = vector.shape_cast %reduce_sum3A_729 : vector<512xf32> to vector<512x1xf32>
    %mul3A_731 = arith.mulf %get3A_1, %get3A_726 : vector<512x64xf32>
    %reduce_sum3A_732 = arith.constant dense<0.000000e+00> : vector<512xf32>
    %reduce_sum3A_733 = vector.multi_reduction <add>, %mul3A_731, %reduce_sum3A_732 [1] : vector<512x64xf32> to vector<512xf32>
    %broadcast_in_dim3A_734 = vector.shape_cast %reduce_sum3A_733 : vector<512xf32> to vector<512x1xf32>
    %mul3A_735 = arith.mulf %add3A_590, %get3A_726 : vector<512x64xf32>
    %reduce_sum3A_736 = arith.constant dense<0.000000e+00> : vector<512xf32>
    %reduce_sum3A_737 = vector.multi_reduction <add>, %mul3A_735, %reduce_sum3A_736 [1] : vector<512x64xf32> to vector<512xf32>
    %broadcast_in_dim3A_738 = vector.shape_cast %reduce_sum3A_737 : vector<512xf32> to vector<512x1xf32>
    %mul3A_739 = arith.constant 2.000000e+00 : f32
    %mul3A_740 = vector.broadcast %mul3A_739 : f32 to vector<512x1xf32>
    %mul3A_741 = arith.mulf %mul3A_740, %broadcast_in_dim3A_734 : vector<512x1xf32>
    %sub3A_742 = arith.subf %mul3A_741, %broadcast_in_dim3A : vector<512x1xf32>
    %sub3A_743 = arith.subf %sub3A_742, %broadcast_in_dim3A_730 : vector<512x1xf32>
    %sub3A_744 = arith.subf %sub3A_743, %broadcast_in_dim3A_409 : vector<512x1xf32>
    %mul3A_745 = arith.mulf %broadcast_in_dim3A_405, %broadcast_in_dim3A_730 : vector<512x1xf32>
    %sub3A_746 = arith.subf %sub3A_744, %mul3A_745 : vector<512x1xf32>
    %mul3A_747 = arith.constant 2.000000e+00 : f32
    %mul3A_748 = vector.broadcast %mul3A_747 : f32 to vector<512x1xf32>
    %mul3A_749 = arith.mulf %mul3A_748, %broadcast_in_dim3A_738 : vector<512x1xf32>
    %add3A_750 = arith.addf %sub3A_746, %mul3A_749 : vector<512x1xf32>
    %squeeze3A_751 = vector.shape_cast %add3A_750 : vector<512x1xf32> to vector<512xf32>
    %min3A_752 = arith.constant 0.000000e+00 : f32
    %min3A_753 = vector.broadcast %min3A_752 : f32 to vector<512xf32>
    %min3A_754 = arith.minimumf %squeeze3A_751, %min3A_753 : vector<512xf32>
    %abs3A_755 = math.absf %squeeze3A_751 : vector<512xf32>
    %neg3A_756 = arith.constant 0.000000e+00 : f32
    %neg3A_757 = vector.broadcast %neg3A_756 : f32 to vector<512xf32>
    %neg3A_758 = arith.subf %neg3A_757, %abs3A_755 : vector<512xf32>
    %exp3A_759 = math.exp %neg3A_758 : vector<512xf32>
    %log1p3A_760 = math.log1p %exp3A_759 : vector<512xf32>
    %sub3A_761 = arith.subf %min3A_754, %log1p3A_760 : vector<512xf32>
    %sub3A_762 = arith.subf %sub3A_721, %sub3A_761 : vector<512xf32>
    %get3A_763 = arith.constant 4 : index
    %get3A_764 = arith.constant 0 : index
    %get3A_765 = arith.constant 0 : index
    %get3A_766 = vector.load %arg4[%get3A_763, %get3A_764, %get3A_765] : memref<5x512x64xf32, #tpu.memory_space<vmem>>, vector<1x512x64xf32>
    %get3A_767 = vector.shape_cast %get3A_766 : vector<1x512x64xf32> to vector<512x64xf32>
    %mul3A_768 = arith.mulf %get3A_767, %get3A_767 : vector<512x64xf32>
    %reduce_sum3A_769 = arith.constant dense<0.000000e+00> : vector<512xf32>
    %reduce_sum3A_770 = vector.multi_reduction <add>, %mul3A_768, %reduce_sum3A_769 [1] : vector<512x64xf32> to vector<512xf32>
    %broadcast_in_dim3A_771 = vector.shape_cast %reduce_sum3A_770 : vector<512xf32> to vector<512x1xf32>
    %mul3A_772 = arith.mulf %get3A_1, %get3A_767 : vector<512x64xf32>
    %reduce_sum3A_773 = arith.constant dense<0.000000e+00> : vector<512xf32>
    %reduce_sum3A_774 = vector.multi_reduction <add>, %mul3A_772, %reduce_sum3A_773 [1] : vector<512x64xf32> to vector<512xf32>
    %broadcast_in_dim3A_775 = vector.shape_cast %reduce_sum3A_774 : vector<512xf32> to vector<512x1xf32>
    %mul3A_776 = arith.mulf %add3A_590, %get3A_767 : vector<512x64xf32>
    %reduce_sum3A_777 = arith.constant dense<0.000000e+00> : vector<512xf32>
    %reduce_sum3A_778 = vector.multi_reduction <add>, %mul3A_776, %reduce_sum3A_777 [1] : vector<512x64xf32> to vector<512xf32>
    %broadcast_in_dim3A_779 = vector.shape_cast %reduce_sum3A_778 : vector<512xf32> to vector<512x1xf32>
    %mul3A_780 = arith.constant 2.000000e+00 : f32
    %mul3A_781 = vector.broadcast %mul3A_780 : f32 to vector<512x1xf32>
    %mul3A_782 = arith.mulf %mul3A_781, %broadcast_in_dim3A_775 : vector<512x1xf32>
    %sub3A_783 = arith.subf %mul3A_782, %broadcast_in_dim3A : vector<512x1xf32>
    %sub3A_784 = arith.subf %sub3A_783, %broadcast_in_dim3A_771 : vector<512x1xf32>
    %sub3A_785 = arith.subf %sub3A_784, %broadcast_in_dim3A_409 : vector<512x1xf32>
    %mul3A_786 = arith.mulf %broadcast_in_dim3A_405, %broadcast_in_dim3A_771 : vector<512x1xf32>
    %sub3A_787 = arith.subf %sub3A_785, %mul3A_786 : vector<512x1xf32>
    %mul3A_788 = arith.constant 2.000000e+00 : f32
    %mul3A_789 = vector.broadcast %mul3A_788 : f32 to vector<512x1xf32>
    %mul3A_790 = arith.mulf %mul3A_789, %broadcast_in_dim3A_779 : vector<512x1xf32>
    %add3A_791 = arith.addf %sub3A_787, %mul3A_790 : vector<512x1xf32>
    %squeeze3A_792 = vector.shape_cast %add3A_791 : vector<512x1xf32> to vector<512xf32>
    %min3A_793 = arith.constant 0.000000e+00 : f32
    %min3A_794 = vector.broadcast %min3A_793 : f32 to vector<512xf32>
    %min3A_795 = arith.minimumf %squeeze3A_792, %min3A_794 : vector<512xf32>
    %abs3A_796 = math.absf %squeeze3A_792 : vector<512xf32>
    %neg3A_797 = arith.constant 0.000000e+00 : f32
    %neg3A_798 = vector.broadcast %neg3A_797 : f32 to vector<512xf32>
    %neg3A_799 = arith.subf %neg3A_798, %abs3A_796 : vector<512xf32>
    %exp3A_800 = math.exp %neg3A_799 : vector<512xf32>
    %log1p3A_801 = math.log1p %exp3A_800 : vector<512xf32>
    %sub3A_802 = arith.subf %min3A_795, %log1p3A_801 : vector<512xf32>
    %sub3A_803 = arith.subf %sub3A_762, %sub3A_802 : vector<512xf32>
    %broadcast_in_dim3A_804 = vector.shape_cast %sub3A_803 : vector<512xf32> to vector<512x1xf32>
    %swap3A = arith.constant 0 : index
    %swap3A_805 = arith.constant 0 : index
    %swap3A_806 = vector.load %arg9[%swap3A, %swap3A_805] : memref<512x1xf32, #tpu.memory_space<vmem>>, vector<512x1xf32>
    tpu.vector_store %arg9[%swap3A, %swap3A_805], %broadcast_in_dim3A_804 {strides = array<i32>} : memref<512x1xf32, #tpu.memory_space<vmem>>, vector<512x1xf32>,
    return
  }
  func.func @transform_0(%arg0: i32) -> (i32, i32) {
    %c0_i32 = arith.constant 0 : i32
    %c0_i32_0 = arith.constant 0 : i32
    return %arg0, %c0_i32 : i32, i32
  }
  func.func @transform_1(%arg0: i32) -> (i32, i32) {
    %c0_i32 = arith.constant 0 : i32
    %c0_i32_0 = arith.constant 0 : i32
    return %arg0, %c0_i32 : i32, i32
  }
  func.func @transform_2(%arg0: i32) -> (i32, i32, i32) {
    %c0_i32 = arith.constant 0 : i32
    %c0_i32_0 = arith.constant 0 : i32
    %c0_i32_1 = arith.constant 0 : i32
    return %c0_i32, %arg0, %c0_i32_0 : i32, i32, i32
  }
  func.func @transform_3(%arg0: i32) -> (i32, i32, i32) {
    %c0_i32 = arith.constant 0 : i32
    %c0_i32_0 = arith.constant 0 : i32
    %c0_i32_1 = arith.constant 0 : i32
    return %c0_i32, %arg0, %c0_i32_0 : i32, i32, i32
  }
  func.func @transform_4(%arg0: i32) -> (i32, i32) {
    %c0_i32 = arith.constant 0 : i32
    %c0_i32_0 = arith.constant 0 : i32
    return %arg0, %c0_i32 : i32, i32
  }
  func.func @transform_5(%arg0: i32) -> (i32, i32) {
    %c0_i32 = arith.constant 0 : i32
    %c0_i32_0 = arith.constant 0 : i32
    return %arg0, %c0_i32 : i32, i32
  }
  func.func @transform_6(%arg0: i32) -> (i32, i32) {
    %c0_i32 = arith.constant 0 : i32
    %c0_i32_0 = arith.constant 0 : i32
    return %arg0, %c0_i32 : i32, i32
  }
  func.func @transform_7(%arg0: i32) -> (i32, i32) {
    %c0_i32 = arith.constant 0 : i32
    %c0_i32_0 = arith.constant 0 : i32
    return %arg0, %c0_i32 : i32, i32
  }
  func.func @transform_8(%arg0: i32) -> (i32, i32) {
    %c0_i32 = arith.constant 0 : i32
    %c0_i32_0 = arith.constant 0 : i32
    return %arg0, %c0_i32 : i32, i32
  }
}

</mosaic_0001>

<sc_bundles>
// kernel: kernel.4.cloned.1.call-start
scs
__scs_entry_jumppad:
0x0: {  	(pc) =	sbr.rel $0x88, $3  }
0x1: {  	(tag) =	ssettag $0x0;
	lr =	simm.s32 $0x1  }
0x2: {  	[smem:$0x3F98] =	sst lr;
	_ =	strace $0xD0000000  }
0x3: {  	_ = 	snop  }
0x4: {  	_ = 	snop  }
0x5: {  	_ = 	snop  }
0x6: {  	_ = 	snop  }
0x7: {  	_ = 	snop  }
__scs_overlays_trampoline_lowered:
0x8: {  	[smem:$0x3FA7] =	sst s0  }
0x9: {  	[smem:$0x3FA8] =	sst s1  }
0xa: {  	[smem:$0x3FA9] =	sst s2  }
0xb: {  	[smem:$0x3FAA] =	sst s3  }
0xc: {  	[smem:$0x3FAB] =	sst s4  }
0xd: {  	[smem:$0x3FAC] =	sst s5  }
0xe: {  	[smem:$0x3FAD] =	sst s6  }
0xf: {  	[smem:$0x3FAE] =	sst s7  }
0x10: {  	[smem:$0x3FAF] =	sst s8  }
0x11: {  	[smem:$0x3FB0] =	sst s9;
	s0 =	simm.s32 @!p0 $0x0  }
0x12: {  	s1 =	sld [smem:$0x3F96];
	s0 =	simm.s32 @p0 $0x1  }
0x13: {  	[smem:$0x3FB1] =	sst s0;
	s0 =	simm.s32 @!p1 $0x0  }
0x14: {  	s2 =	sld [smem:$0x3F95];
	s0 =	simm.s32 @p1 $0x1  }
0x15: {  	[smem:$0x3FB2] =	sst s0;
	s0 =	simm.s32 @!p2 $0x0  }
0x16: {  	s3 =	sld [smem:$0x3FDB];
	s0 =	simm.s32 @p2 $0x1  }
0x17: {  	s4 =	simm.s32 $0x1BF5;
	[smem:$0x3FB4] =	sst s0  }
0x18: {  	s0 =	sld [smem:$0x3F97];
	_ =	swait.ge [sflag:s4], $0x0  }
0x19: {  	s7 =	sld [smem:$0x3F98]  }
0x1a: {  	s8 =	sadd.s32 $0xFFFFE003, lr  }
0x1b: {  	s9 =	sadd.s32 $0xFFFFFEF7, lr;
	s5 =	simm.s32 $0xFFFFFFFF;
	p2 =	slt.u32 s8, $0xFFFFF086  }
0x1c: {  	p1 =	slt.u32 s9, $0xF7A;
	s5 =	simm.s32 @!p2 $0x0  }
0x1d: {  	s5 =	simm.s32 @p1 $0x1;
	p0 =	seq.s32 s7, s2  }
0x1e: {  	s7 =	smul.u32 @!p0 $0xF7A, s2;
	p2 =	seq.s32 @!p0 s5, $0x0  }
0x1f: {  	s9 =	smul.u32 $0xF7A, s1;
	s8 =	simm.s32 @!p0 $0x1BF5;
	p2 =	por !p2, p0  }
0x20: {  	[sflag:s8] =	ssyncset.s32 @!p0 $0xFFFFF086;
	s6 =	sadd.s32 @!p0 s3, s7;
	s7 =	simm.s32 @!p0 $0x108  }
0x21: {  	s3 =	sadd.s32 s3, s9;
	s6 =	sadd.s32 @!p0 $0x88, s6;
	s7 =	simm.s32 @p2 $0x1082  }
0x22: {  	[simem:s7], [sflag:s8] =	dma.local @!p0 [hbm:s6], $0xF7A  }
0x23: {  	s9 =	sor.u32 $0xD0000000, s2;
	s6 =	simm.s32 $0x108;
	_ =	swait.ge @!p0 [sflag:s8], $0x0  }
0x24: {  	s3 =	sadd.s32 $0x88, s3;
	s6 =	simm.s32 @!p1 $0x1082;
	[sflag:s4] =	ssyncset.s32 $0xFFFFF086  }
0x25: {  	[simem:s6], [sflag:s4] =	dma.local [hbm:s3], $0xF7A  }
0x26: {  	[smem:$0x3F98] =	sst s1;
	(tag) =	ssettag s2;
	_ =	strace s9  }
0x27: {  	s1 =	sld [smem:$0x3FA8]  }
0x28: {  	s2 =	sld [smem:$0x3FA9]  }
0x29: {  	s4 =	sld [smem:$0x3FAB]  }
0x2a: {  	p0 =	seq.s32 s5, $0x0;
	s5 =	sld [smem:$0x3FAC]  }
0x2b: {  	s6 =	sld [smem:$0x3FAD]  }
0x2c: {  	s7 =	sld [smem:$0x3FAE]  }
0x2d: {  	s3 =	simm.s32 $0x108;
	s8 =	sld [smem:$0x3FAF]  }
0x2e: {  	s3 =	simm.s32 @!p0 $0x1082;
	s9 =	sld [smem:$0x3FB0]  }
0x2f: {  	lr =	sadd.s32 s0, s3;
	s0 =	sld [smem:$0x3FA7]  }
0x30: {  	s3 =	sld [smem:$0x3FAA]  }
0x31: {  	[smem:$0x3FB3] =	sst s10  }
0x32: {  	s10 =	sld [smem:$0x3FB1];
	_ =	sdelay $0x3  }
0x33: {  	p0 =	seq.s32 s10, $0x1;
	s10 =	sld [smem:$0x3FB3];
	_ =	sdelay $0x3  }
0x34: {  	[smem:$0x3FB3] =	sst s10  }
0x35: {  	s10 =	sld [smem:$0x3FB2];
	_ =	sdelay $0x3  }
0x36: {  	p1 =	seq.s32 s10, $0x1;
	s10 =	sld [smem:$0x3FB3];
	_ =	sdelay $0x3  }
0x37: {  	[smem:$0x3FB3] =	sst s10  }
0x38: {  	s10 =	sld [smem:$0x3FB4]  }
0x39: {  	_ = 	snop;
	(pc) =	sbr.ind lr, $3  }
0x3a: {  	_ = 	snop  }
0x3b: {  	_ = 	snop  }
0x3c: {  	p2 =	seq.s32 s10, $0x1;
	s10 =	sld [smem:$0x3FB3]  }
0x3d: {  	_ =	shalt  }
0x3e: {  	_ =	shalt  }
0x3f: {  	_ =	shalt  }
0x40: {  	_ =	shalt  }
0x41: {  	_ =	shalt  }
0x42: {  	_ =	shalt  }
0x43: {  	_ =	shalt  }
0x44: {  	_ =	shalt  }
0x45: {  	_ =	shalt  }
0x46: {  	_ =	shalt  }
0x47: {  	_ =	shalt  }
0x48: {  	_ =	shalt  }
0x49: {  	_ =	shalt  }
0x4a: {  	_ =	shalt  }
0x4b: {  	_ =	shalt  }
0x4c: {  	_ =	shalt  }
0x4d: {  	_ =	shalt  }
0x4e: {  	_ =	shalt  }
0x4f: {  	_ =	shalt  }
0x50: {  	_ =	shalt  }
0x51: {  	_ =	shalt  }
0x52: {  	_ =	shalt  }
0x53: {  	_ =	shalt  }
0x54: {  	_ =	shalt  }
0x55: {  	_ =	shalt  }
0x56: {  	_ =	shalt  }
0x57: {  	_ =	shalt  }
0x58: {  	_ =	shalt  }
0x59: {  	_ =	shalt  }
0x5a: {  	_ =	shalt  }
0x5b: {  	_ =	shalt  }
0x5c: {  	_ =	shalt  }
0x5d: {  	_ =	shalt  }
0x5e: {  	_ =	shalt  }
0x5f: {  	_ =	shalt  }
0x60: {  	_ =	shalt  }
0x61: {  	_ =	shalt  }
0x62: {  	_ =	shalt  }
0x63: {  	_ =	shalt  }
0x64: {  	_ =	shalt  }
0x65: {  	_ =	shalt  }
0x66: {  	_ =	shalt  }
0x67: {  	_ =	shalt  }
0x68: {  	_ =	shalt  }
0x69: {  	_ =	shalt  }
0x6a: {  	_ =	shalt  }
0x6b: {  	_ =	shalt  }
0x6c: {  	_ =	shalt  }
0x6d: {  	_ =	shalt  }
0x6e: {  	_ =	shalt  }
0x6f: {  	_ =	shalt  }
0x70: {  	_ =	shalt  }
0x71: {  	_ =	shalt  }
0x72: {  	_ =	shalt  }
0x73: {  	_ =	shalt  }
0x74: {  	_ =	shalt  }
0x75: {  	_ =	shalt  }
0x76: {  	_ =	shalt  }
0x77: {  	_ =	shalt  }
0x78: {  	_ =	shalt  }
0x79: {  	_ =	shalt  }
0x7a: {  	_ =	shalt  }
0x7b: {  	_ =	shalt  }
0x7c: {  	_ =	shalt  }
0x7d: {  	_ =	shalt  }
0x7e: {  	_ =	shalt  }
0x7f: {  	_ =	shalt  }
0x80: {  	_ =	shalt  }
0x81: {  	_ =	shalt  }
0x82: {  	_ =	shalt  }
0x83: {  	_ =	shalt  }
0x84: {  	_ =	shalt  }
0x85: {  	_ =	shalt  }
0x86: {  	_ =	shalt  }
0x87: {  	_ =	shalt  }
.Lfunc_end0:
.L_simem_size_0:
called_computation_lowered:
.L_overlay_start_0:
0x88: {  	s2 =	sld [smem:$0x3FD9]  }
0x89: {  	s3 =	sld [smem:$0x3FFE];
	_ =	sdelay $0x1  }
0x8a: {  	s1 =	srdreg.scid  }
0x8b: {  	s0 =	sand.u32 $0x1, s1  }
0x8c: {  	s17 =	sshll.u32 s0, $0xA;
	s2 =	sadd.s32 s3, s2  }
0x8d: {  	s2 =	sadd.s32 s2, s17  }
0x8e: {  	[smem:$0x3FBF] =	sst s2  }
0x8f: {  	_ = 	snop  }
0x90: {  	s2 =	sld [smem:$0x3FC9]  }
0x91: {  	s18 =	sld [smem:$0x3FC8]  }
0x92: {  	s4 =	sld [smem:$0x3FD0];
	(tm) =	ssettm $0x1  }
0x93: {  	s5 =	sld [smem:$0x3FFB];
	_ =	sdelay $0x3  }
0x94: {  	_ =	strace s5  }
0x95: {  	s5 =	sld [smem:$0x3FFC];
	_ =	sdelay $0x3  }
0x96: {  	_ =	strace s5  }
0x97: {  	s5 =	sld [smem:$0x3FFD];
	_ =	sdelay $0x3  }
0x98: {  	_ =	strace s5  }
0x99: {  	_ =	strace $0x8FFFFFFF  }
0x9a: {  	s19 =	sld [smem:$0x3FDB];
	_ =	sdelay $0x1  }
0x9b: {  	s6 =	simm.s32 $_scs_section_size  }
0x9c: {  	s7 =	simm.s32 $_size__tile_overlayer_lowered;
	s8 =	simm.s32 $_tile_overlayer_lowered  }
0x9d: {  	s22 =	simm.s32 $0x1BFF;
	s21 =	sshll.u32 s8, $0x1;
	s5 =	sadd.s32 s6, s19  }
0x9e: {  	s9 =	simm.s32 $0x0;
	s20 =	sshll.u32 s7, $0x1;
	s7 =	sadd.s32 s21, s5  }
0x9f: {  	[timem:s9], [sflag:s22] =	dma.local [hbm:s7], s20  }
0xa0: {  	_ =	swait.ge [sflag:s22], s20  }
0xa1: {  	s6 =	ssub.s32 $0x0, s20;
	[sflag:s22] =	ssyncset.done $0x0  }
0xa2: {  	[sflag:s22] =	ssyncadd.s32 s6;
	_ =	sdelay $0x1  }
0xa3: {  	s23 =	simm.s32 $0x1B8B  }
0xa4: {  	_ =	swait.ge [sflag:s23], $0x1  }
0xa5: {  	[sflag:s23] =	ssyncset.done $0x0  }
0xa6: {  	s25 =	simm.s32 $0x1B8E;
	s24 =	sld [smem:$0x3FFE];
	[sflag:s23] =	ssyncadd.s32 $0xFFFFFFFF  }
0xa7: {  	s26 =	simm.s32 $execute0_lowered;
	[smem:$0x3FD2] =	sst s25  }
0xa8: {  	s7 =	sshll.u32 s26, $0x1;
	_ =	strace $0x80000046;
	[dreg:$0x1] =	wrdreg $0xFFFFFFFF  }
0xa9: {  	s28 =	simm.s32 $_size_execute0_lowered;
	s5 =	sadd.s32 s5, s7;
	[dreg:$0x0] =	wrdreg $0x0  }
0xaa: {  	s7 =	sshll.u32 s28, $0x1;
	[dreg:$0x2] =	wrdreg s5  }
0xab: {  	[dreg:$0x3] =	wrdreg s7  }
0xac: {  	[dreg:$0x4] =	wrdreg $0xC0  }
0xad: {  	_ =	task [dreg:s9], $0x5FFFF  }
0xae: {  	[dreg:$0x1] =	wrdreg $0xFFFFFFFF  }
0xaf: {  	[dreg:$0x0] =	wrdreg $0x60  }
0xb0: {  	[dreg:$0x2] =	wrdreg s24  }
0xb1: {  	[dreg:$0x3] =	wrdreg s2  }
0xb2: {  	[dreg:$0x4] =	wrdreg s18  }
0xb3: {  	[dreg:$0x5] =	wrdreg s4  }
0xb4: {  	[dreg:$0x6] =	wrdreg $0x9  }
0xb5: {  	_ =	task.clear_ibuf [dreg:s9], $0x7FFFF;
	_ =	strace $0x90000046  }
0xb6: {  	s29 =	simm.s32 $0x9;
	_ =	strace $0x80000048  }
0xb7: {  	_ =	swait.ge [sflag:s29], $0x1  }
0xb8: {  	[sflag:s29] =	ssyncadd.s32 $0xFFFFFFFF  }
0xb9: {  	_ =	strace $0x90000048  }
0xba: {  	_ =	sfence  }
0xbb: {  	s30 =	sld [smem:$0x0];
	_ =	sdelay $0x2  }
0xbc: {  	s31 =	sshll.u32 s1, $0xD;
	s1 =	sshrl.u32 s1, $0x2  }
0xbd: {  	s3 =	sand.u32 $0x4000, s31;
	s1 =	sadd.s32 s1, s30  }
0xbe: {  	s0 =	sor.u32 s3, s0;
	s1 =	sshll.u32 s1, $0x11  }
0xbf: {  	s0 =	sor.u32 s1, s0  }
0xc0: {  	s0 =	sadd.s32 $0x8F2B, s0  }
0xc1: {  	[sflag:s0] =	ssyncadd.remote.s32 $0x1  }
0xc2: {  	_ =	sfence.sel $0xFFFF  }
0xc3: {  	[dreg:$0x0] =	wrdreg $0xFFFFFFFF;
	(pc) =	sbr.abs _section_cstart, $3  }
0xc4: {  	[dreg:$0x1] =	wrdreg $0xFFFFFFFF  }
0xc5: {  	_ =	task.clear_ibuf [dreg:s9], $0x2FFFF;
	_ =	strace $0x9FFFFFFF  }
0xc6: {  	(tm) =	ssettm $0x7FFFFFFF  }
0xc7: {  	_ =	shalt  }
tec
execute0_lowered:
.L_overlay_start_1:
0x0: {  	(tag) =	ssettag $0x1  }
0x1: {  	s6 =	rddreg [dreg:$0x0]  }
0x2: {  	s7 =	rddreg [dreg:$0x1]  }
0x3: {  	s9 =	rddreg [dreg:$0x2];
	s1 =	srdreg.scid  }
0x4: {  	s0 =	stileid.u32;
	s15 =	rddreg [dreg:$0x3]  }
0x5: {  	s2 =	simm.s32 $0x0;
	s18 =	simm.s32 $0x200;
	s19 =	simm.s32 $0x2800  }
0x6: {  	s20 =	simm.s32 $0x1;
	s21 =	simm.s32 $0x2;
	s22 =	simm.s32 $0x12800  }
0x7: {  	s8 =	sand.u32 $0x1, s1;
	s3 =	sshll.u32 s0, $0x1;
	s1 =	rddreg [dreg:$0x4]  }
0x8: {  	s23 =	simm.s32 $0x0;
	[smem:$0x7FF] =	sst s2;
	s14 =	sor.u32 s8, s3  }
0x9: {  	s4 =	sadd.s32 $0xDA00, s6;
	_ =	strace $0x80000047;
	s5 =	smul.u32 $0x500, s14  }
0xa: {  	s3 =	sadd.s32 $0xF43600, s6;
	s8 =	ssub.s32 $0x2, s8;
	s10 =	smul.u32 $0x140, s14  }
0xb: {  	s30 =	sshll.u32 s14, $0xC;
	s11 =	sshrl.u32 s8, $0x1;
	s16 =	sshll.u32 s14, $0x6  }
0xc: {  	s31 =	sadd.s32 s30, s6;
	s17 =	ssub.s32 s8, s11;
	s11 =	smul.u32 $0xA0000, s14  }
.Ltmp0:
0xd: {  	s7 =	sadd.s32 s7, s16;
	s9 =	sadd.s32 s9, s16;
	(pc) =	sbr.rel .LBB2_1-.Ltmp0, $4  }
0xe: {  	s14 =	smul.u32 $0x28000, s14;
	s15 =	sadd.s32 s15, s16;
	s12 =	sadd.s32 s5, s6  }
0xf: {  	s13 =	sadd.s32 s10, s6;
	s5 =	sadd.s32 $0x2C400, s6;
	s6 =	sadd.s32 $0x2AC400, s6  }
0x10: {  	s8 =	sadd.s32 $0x36C400, s31;
	s10 =	sadd.s32 $0x34C400, s31;
	s16 =	smax.u32 s17, $0x1  }
0x11: {  	s17 =	simm.s32 $0x3;
	s12 =	sadd.s32 $0x1200, s12;
	s13 =	sadd.s32 $0xB200, s13  }
.LBB2_9:
0x12: {  	_ =	swait.ge [sflag:s21], $0x8000  }
0x13: {  	[sflag:s21] =	ssyncset.done $0x0  }
0x14: {  	[sflag:s21] =	ssyncadd.s32 $0xFFFF8000  }
0x15: {  	[tilespmem:s2], [sflag:$0x3] =	stream.linear.gather [hbm4b:s7+s2], $0x200, $0x38;
	[tilespmem:$0x12A00] =	vst v63  }
0x16: {  	_ =	swait.ge [sflag:s17], $0x200  }
0x17: {  	[sflag:s17] =	ssyncset.done $0x0  }
0x18: {  	[sflag:s17] =	ssyncadd.s32 $0xFFFFFE00  }
0x19: {  	[tilespmem:s22], [sflag:$0x1] =	stream.indirect.gather [hbm4b:s4+s18], $0x1, s2, s18, $0xb8;
	[tilespmem:$0x12A00] =	vst v63  }
0x1a: {  	s23 =	sadd.s32 $0x1, s23;
	_ =	swait.ge [sflag:s20], $0x200  }
0x1b: {  	p0 =	sne.s32 s23, s16;
	[sflag:s20] =	ssyncset.done $0x0  }
.Ltmp1:
0x1c: {  	[sflag:s20] =	ssyncadd.s32 $0xFFFFFE00;
	(pc) =	sbr.rel @!p0 .LBB2_10-.Ltmp1, $4  }
0x1d: {  	[hbm4b:s15+s2] =	stream.linear.scatter [tilespmem:s22], [sflag:$0x3], $0x200, $0x38;
	[tilespmem:$0x12A00] =	vst v63  }
0x1e: {  	_ =	swait.ge [sflag:s17], $0x200  }
0x1f: {  	[sflag:s17] =	ssyncset.done $0x0  }
0x20: {  	[sflag:s17] =	ssyncadd.s32 $0xFFFFFE00  }
.LBB2_1:
0x21: {  	[tilespmem:s2], [sflag:$0x3] =	stream.linear.gather [hbm4b:s7+s2], $0x200, $0x38;
	[tilespmem:$0x12A00] =	vst v63  }
0x22: {  	_ =	swait.ge [sflag:s17], $0x200  }
0x23: {  	[sflag:s17] =	ssyncset.done $0x0  }
0x24: {  	[sflag:s17] =	ssyncadd.s32 $0xFFFFFE00  }
0x25: {  	[tilespmem:s19], [sflag:$0x1] =	stream.indirect.gather [hbm4b:s3+s18], $0x40, s2, s18, $0xb8;
	[tilespmem:$0x12A00] =	vst v63  }
0x26: {  	_ =	swait.ge [sflag:s20], $0x8000  }
0x27: {  	[sflag:s20] =	ssyncset.done $0x0  }
0x28: {  	[sflag:s20] =	ssyncadd.s32 $0xFFFF8000  }
0x29: {  	[hbm4b:s8+s2] =	stream.linear.scatter [tilespmem:s19], [sflag:$0x2], $0x8000, $0x38;
	[tilespmem:$0x12A00] =	vst v63  }
0x2a: {  	_ =	swait.ge [sflag:s21], $0x8000  }
0x2b: {  	[sflag:s21] =	ssyncset.done $0x0  }
0x2c: {  	[sflag:s21] =	ssyncadd.s32 $0xFFFF8000  }
0x2d: {  	[tilespmem:s2], [sflag:$0x3] =	stream.linear.gather [hbm4b:s9+s2], $0x200, $0x38;
	[tilespmem:$0x12A00] =	vst v63  }
0x2e: {  	_ =	swait.ge [sflag:s17], $0x200  }
0x2f: {  	[sflag:s17] =	ssyncset.done $0x0  }
0x30: {  	[sflag:s17] =	ssyncadd.s32 $0xFFFFFE00  }
0x31: {  	[tilespmem:s19], [sflag:$0x1] =	stream.indirect.gather [hbm4b:s3+s18], $0x40, s2, s18, $0xb8;
	[tilespmem:$0x12A00] =	vst v63  }
0x32: {  	_ =	swait.ge [sflag:s20], $0x8000  }
0x33: {  	[sflag:s20] =	ssyncset.done $0x0  }
0x34: {  	[sflag:s20] =	ssyncadd.s32 $0xFFFF8000  }
0x35: {  	[hbm4b:s10+s2] =	stream.linear.scatter [tilespmem:s19], [sflag:$0x2], $0x8000, $0x38;
	[tilespmem:$0x12A00] =	vst v63  }
0x36: {  	_ =	swait.ge [sflag:s21], $0x8000  }
0x37: {  	[sflag:s21] =	ssyncset.done $0x0  }
0x38: {  	[sflag:s21] =	ssyncadd.s32 $0xFFFF8000  }
0x39: {  	[tilespmem:s2], [sflag:$0x3] =	stream.linear.gather [hbm4b:s12+s2], $0x2800, $0x38;
	[tilespmem:$0x12A00] =	vst v63  }
.Ltmp2:
0x3a: {  	_ = 	snop;
	(pc) =	sbr.rel .LBB2_2-.Ltmp2, $4  }
0x3b: {  	_ =	swait.ge [sflag:s17], $0x2800  }
0x3c: {  	[sflag:s17] =	ssyncset.done $0x0  }
0x3d: {  	s24 =	simm.s32 $0x0;
	[sflag:s17] =	ssyncadd.s32 $0xFFFFD800  }
0x3e: {  	[tilespmem:s19], [sflag:$0x1] =	stream.indirect.gather [hbm4b:s3+s18], $0x40, s2, s18, $0xb8;
	[tilespmem:$0x12A00] =	vst v63  }
.LBB2_4:
0x3f: {  	s24 =	sshll.u32 s24, $0xF;
	p0 =	slt.u32 s25, $0x14  }
.Ltmp3:
0x40: {  	_ =	swait.ge [sflag:s20], $0x8000;
	s24 =	sadd.s32 s11, s24;
	(pc) =	sbr.rel @!p0 .LBB2_5-.Ltmp3, $4  }
0x41: {  	s26 =	sshll.u32 s26, $0xF;
	[sflag:s20] =	ssyncset.done $0x0;
	s24 =	sshrl.u32 s24, $0x3  }
0x42: {  	s26 =	sor.u32 $0x2800, s26;
	[sflag:s20] =	ssyncadd.s32 $0xFFFF8000;
	s24 =	sadd.s32 s5, s24  }
0x43: {  	[hbm4b:s24+s2] =	stream.linear.scatter [tilespmem:s26], [sflag:$0x2], $0x8000, $0x38;
	[tilespmem:$0x12A00] =	vst v63  }
0x44: {  	s24 =	smov.u32 s25  }
.LBB2_2:
0x45: {  	p0 =	seq.s32 s24, $0x0  }
0x46: {  	p1 =	seq.s32 @!p0 s24, $0x13  }
0x47: {  	p1 =	por p0, !p1  }
.Ltmp4:
0x48: {  	_ = 	snop;
	(pc) =	sbr.rel @!p1 .LBB2_4-.Ltmp4, $4  }
0x49: {  	s25 =	simm.s32 @!p0 $0x2  }
0x4a: {  	_ =	swait.ge @!p0 [sflag:s25], $0x8000  }
0x4b: {  	[sflag:s25] =	ssyncset.done @!p0 $0x0  }
0x4c: {  	s26 =	sand.u32 $0x1, s24;
	[sflag:s25] =	ssyncadd.s32 @!p0 $0xFFFF8000;
	s25 =	simm.s32 @!p0 $0x14  }
.Ltmp5:
0x4d: {  	s25 =	sadd.s32 @!p0 $0x1, s24;
	(pc) =	sbr.rel .LBB2_4-.Ltmp5, $4  }
0x4e: {  	s25 =	simm.s32 @p0 $0x1  }
0x4f: {  	s28 =	sshll.u32 s26, $0xF;
	s29 =	sshll.u32 s25, $0x9  }
0x50: {  	s28 =	sxor.u32 $0xA800, s28;
	s29 =	sand.u32 $0x3FFFFE00, s29  }
0x51: {  	[tilespmem:s28], [sflag:$0x1] =	stream.indirect.gather [hbm4b:s3+s18], $0x40, s29, s18, $0xb8;
	[tilespmem:$0x12A00] =	vst v63  }
.LBB2_5:
0x52: {  	_ =	swait.ge [sflag:s21], $0x8000  }
0x53: {  	[sflag:s21] =	ssyncset.done $0x0  }
0x54: {  	s24 =	simm.s32 $0x0;
	[sflag:s21] =	ssyncadd.s32 $0xFFFF8000  }
0x55: {  	[tilespmem:s24], [sflag:$0x3] =	stream.linear.gather [hbm4b:s13+s24], $0xA00, $0x38;
	[tilespmem:$0x12A00] =	vst v63  }
.Ltmp6:
0x56: {  	_ = 	snop;
	(pc) =	sbr.rel .LBB2_6-.Ltmp6, $4  }
0x57: {  	_ =	swait.ge [sflag:s17], $0xA00  }
0x58: {  	[sflag:s17] =	ssyncset.done $0x0  }
0x59: {  	[sflag:s17] =	ssyncadd.s32 $0xFFFFF600  }
0x5a: {  	[tilespmem:s19], [sflag:$0x1] =	stream.indirect.gather [hbm4b:s3+s18], $0x40, s24, s18, $0xb8;
	[tilespmem:$0x12A00] =	vst v63  }
.LBB2_8:
0x5b: {  	s24 =	sshll.u32 s24, $0xF;
	p0 =	slt.u32 s25, $0x5  }
.Ltmp7:
0x5c: {  	_ =	swait.ge [sflag:s20], $0x8000;
	s24 =	sadd.s32 s14, s24;
	(pc) =	sbr.rel @!p0 .LBB2_9-.Ltmp7, $4  }
0x5d: {  	s26 =	sshll.u32 s26, $0xF;
	[sflag:s20] =	ssyncset.done $0x0;
	s24 =	sshrl.u32 s24, $0x3  }
0x5e: {  	s26 =	sor.u32 $0x2800, s26;
	[sflag:s20] =	ssyncadd.s32 $0xFFFF8000;
	s24 =	sadd.s32 s6, s24  }
0x5f: {  	[hbm4b:s24+s2] =	stream.linear.scatter [tilespmem:s26], [sflag:$0x2], $0x8000, $0x38;
	[tilespmem:$0x12A00] =	vst v63  }
0x60: {  	s24 =	smov.u32 s25  }
.LBB2_6:
0x61: {  	p0 =	seq.s32 s24, $0x0  }
0x62: {  	p1 =	seq.s32 @!p0 s24, $0x4  }
0x63: {  	p1 =	por p0, !p1  }
.Ltmp8:
0x64: {  	_ = 	snop;
	(pc) =	sbr.rel @!p1 .LBB2_8-.Ltmp8, $4  }
0x65: {  	s25 =	simm.s32 @!p0 $0x2  }
0x66: {  	_ =	swait.ge @!p0 [sflag:s25], $0x8000  }
0x67: {  	[sflag:s25] =	ssyncset.done @!p0 $0x0  }
0x68: {  	s26 =	sand.u32 $0x1, s24;
	[sflag:s25] =	ssyncadd.s32 @!p0 $0xFFFF8000;
	s25 =	simm.s32 @!p0 $0x5  }
.Ltmp9:
0x69: {  	s25 =	sadd.s32 @!p0 $0x1, s24;
	(pc) =	sbr.rel .LBB2_8-.Ltmp9, $4  }
0x6a: {  	s25 =	simm.s32 @p0 $0x1  }
0x6b: {  	s28 =	sshll.u32 s26, $0xF;
	s29 =	sshll.u32 s25, $0x9  }
0x6c: {  	s28 =	sxor.u32 $0xA800, s28;
	s29 =	sand.u32 $0x3FFFFE00, s29  }
0x6d: {  	[tilespmem:s28], [sflag:$0x1] =	stream.indirect.gather [hbm4b:s3+s18], $0x40, s29, s18, $0xb8;
	[tilespmem:$0x12A00] =	vst v63  }
.LBB2_10:
0x6e: {  	_ =	sfence.sel $0x180000  }
0x6f: {  	[bflag:$0x0] =	sbarrier.arrive $0xFFFF  }
0x70: {  	p0 =	sne.s32 s0, $0x0;
	_ =	strace $0x90000047  }
0x71: {  	s0 =	sadd.s32 @!p0 $0x100000, s1;
	[bflag:$0x2] =	sbarrier.arrive $0xFFFF  }
0x72: {  	[sflag:s0] =	ssyncadd.tile.s32 @!p0 $0x1;
	_ =	shalt  }
.Lfunc_end2:
_tile_overlayer_lowered:
.L_overlay_start_2:
0x73: {  	(tag) =	ssettag $0x2  }
0x74: {  	s0 =	rddreg [dreg:$0x0];
	s2 =	stileid.u32  }
0x75: {  	s1 =	rddreg [dreg:$0x1];
	p0 =	sne.s32 s2, $0x0  }
0x76: {  	s3 =	rddreg [dreg:$0x2];
	[bflag:$0x3] =	sbarrier.arrive $0xFFFF;
	s2 =	simm.s32 @!p0 $0x1C03  }
0x77: {  	[timem:s3], [sflag:s2] =	dma.local @!p0 [hbm:s0], s1  }
0x78: {  	s0 =	simm.s32 @!p0 $0x3  }
0x79: {  	_ =	swait.ge @!p0 [sflag:s0], s1  }
0x7a: {  	s1 =	ssub.s32 @!p0 $0x0, s1;
	[sflag:s0] =	ssyncset.done @!p0 $0x0  }
0x7b: {  	[sflag:s0] =	ssyncadd.s32 @!p0 s1  }
0x7c: {  	[bflag:$0x3] =	sbarrier.arrive $0xFFFF  }
0x7d: {  	_ =	shalt  }

</sc_bundles>
